<compile_context>
chip_gen: v7x
topology: tpu7x:2x2x1
jax: 0.10.2.dev20260603
libtpu: 0.0.44.dev20260713+nightly
codegen_flags: <defaults>
</compile_context>

<pallas_src>
import jax
import jax.numpy as jnp
from jax import lax
from jax.experimental import pallas as pl
from jax.experimental.pallas import tpu as pltpu
from jax.experimental.pallas import tpu_sc as plsc

B = 2
S = 128
C = 4
G = 64
N = B * G * G * G
NC, NS, L = 2, 16, 16
NW = NC * NS
PER_TILE = N // NW
P = 1024
NCHUNK = PER_TILE // P
IDXN = 128

_OFFS = [dx * S * S + dy * S + dz
         for dx in (0, 1) for dy in (0, 1) for dz in (0, 1)]


def _sc_body(table_hbm, cx_hbm, cy_hbm, cz_hbm, out_hbm, *scr):
    (cxv, cyv, czv, fxv, fyv, fzv, idxv, rowsv) = (
        [scr[i], scr[i]] for i in range(8))
    outv, sem_c = scr[8], scr[9]
    sem_g = [scr[10], scr[10]]

    wid = lax.axis_index("s") * NC + lax.axis_index("c")
    tile_base = wid * PER_TILE
    lane = lax.iota(jnp.int32, L)

    def prep(start, a):
        @pl.loop(0, P, step=L)
        def _prep(i):
            x = cxv[a][pl.ds(i, L)]
            y = cyv[a][pl.ds(i, L)]
            z = czv[a][pl.ds(i, L)]
            ix = jnp.clip(x.astype(jnp.int32), 0, S - 2)
            iy = jnp.clip(y.astype(jnp.int32), 0, S - 2)
            iz = jnp.clip(z.astype(jnp.int32), 0, S - 2)
            fxv[a][pl.ds(i, L)] = jnp.clip(x - ix.astype(jnp.float32), 0., 1.)
            fyv[a][pl.ds(i, L)] = jnp.clip(y - iy.astype(jnp.float32), 0., 1.)
            fzv[a][pl.ds(i, L)] = jnp.clip(z - iz.astype(jnp.float32), 0., 1.)
            b = (start + i + lane) >> 18
            vox = (b << 21) + (ix << 14) + (iy << 7) + iz
            for c in range(8):
                idxv[a][pl.ds(c * P + i, L)] = vox + _OFFS[c]

    def fire_gathers(a):
        @pl.loop(0, 8 * P, step=IDXN)
        def _g(k):
            pltpu.async_copy(
                table_hbm.at[idxv[a].at[pl.ds(k, IDXN)]],
                rowsv[a].at[pl.ds(k, IDXN)], sem_g[a]).wait()

    def blend(start, a):
        @pl.loop(0, P, step=L)
        def _blend(j):
            fx = fxv[a][pl.ds(j, L)]
            fy = fyv[a][pl.ds(j, L)]
            fz = fzv[a][pl.ds(j, L)]
            row = j + lane
            for ch in range(C):
                col = jnp.full((L,), ch, jnp.int32)
                s = [plsc.load_gather(rowsv[a], [c * P + row, col])
                     for c in range(8)]
                a00 = s[0] + fz * (s[1] - s[0])
                a01 = s[2] + fz * (s[3] - s[2])
                a10 = s[4] + fz * (s[5] - s[4])
                a11 = s[6] + fz * (s[7] - s[6])
                b0 = a00 + fy * (a01 - a00)
                b1 = a10 + fy * (a11 - a10)
                fi = ((row >> 6) << 9) + (ch << 7) + (row & 63)
                plsc.store_scatter(outv, [fi >> 9, fi & 511],
                                   b0 + fx * (b1 - b0))
        pltpu.sync_copy(outv, out_hbm.at[pl.ds(start >> 6, P >> 6)])

    @pl.loop(0, NCHUNK)
    def _chunk(c):
        start = tile_base + c * P
        pltpu.sync_copy(cx_hbm.at[pl.ds(start, P)], cxv[0])
        pltpu.sync_copy(cy_hbm.at[pl.ds(start, P)], cyv[0])
        pltpu.sync_copy(cz_hbm.at[pl.ds(start, P)], czv[0])
        prep(start, 0)
        fire_gathers(0)
        blend(start, 0)


@jax.jit
def kernel(inputs, sample_coords):
    table = inputs.reshape(B * S * S * S, C)
    coords = sample_coords.reshape(N, 3)
    cx = coords[:, 0]
    cy = coords[:, 1]
    cz = coords[:, 2]

    cp = pltpu.CompilerParams(
        needs_layout_passes=False, use_tc_tiling_on_sc=False)
    mesh = plsc.VectorSubcoreMesh(core_axis_name="c", subcore_axis_name="s")
    run = pl.kernel(
        _sc_body,
        out_type=jax.ShapeDtypeStruct((N // G, C * 128), jnp.float32),
        mesh=mesh,
        scratch_types=[
            pltpu.VMEM((P,), jnp.float32),
            pltpu.VMEM((P,), jnp.float32),
            pltpu.VMEM((P,), jnp.float32),
            pltpu.VMEM((P,), jnp.float32),
            pltpu.VMEM((P,), jnp.float32),
            pltpu.VMEM((P,), jnp.float32),
            pltpu.VMEM((8 * P,), jnp.int32),
            pltpu.VMEM((8 * P, C), jnp.float32),
            pltpu.VMEM((P // G, C * 128), jnp.float32),
            pltpu.SemaphoreType.DMA,
            pltpu.SemaphoreType.DMA,
        ],
        compiler_params=cp,
    )
    out5 = run(table, cx, cy, cz).reshape(B, G, G, C, 128)
    return jnp.swapaxes(out5, 3, 4)[:, :, :, :G, :]

# --- scband reference (transcript-rebuilt; emitter-appended) ---
"""Pipeline reference for scband-resampler-layer-2534030704699 (READ-ONLY COPY).

The authoritative reference and input builder live on the scoring server;
editing this copy changes nothing except your own understanding.
"""

import jax, jax.numpy as jnp
import numpy as np


def setup_inputs(seed: int = 0) -> dict:
    key = jax.random.key(seed)
    k1, k2 = jax.random.split(key)
    inputs = jax.random.normal(k1, (2, 128, 128, 128, 4), dtype=jnp.float32)
    # coords uniform in [0, 127] covering the full volume (fill=rand scaled by fill_max)
    sample_coords = jax.random.uniform(k2, (2, 64, 64, 64, 3), dtype=jnp.float32) * 127.0
    return {"inputs": inputs, "sample_coords": sample_coords}


def _resample_linear_replicate(inputs, sample_coords):
    spatial_size = inputs.shape[1:-1]
    spatial_rank = len(spatial_size)
    B = inputs.shape[0]
    # unstack coordinate channels
    xy = [sample_coords[..., i] for i in range(spatial_rank)]
    index_voxel_coords = [jnp.floor(x) for x in xy]
    # REPLICATE boundary: clamp to [0, size-1]
    spatial_coords = [
        jnp.clip(f.astype(jnp.int32), 0, spatial_size[i] - 1)
        for i, f in enumerate(index_voxel_coords)
    ]
    spatial_coords_plus1 = [
        jnp.clip((f + 1.0).astype(jnp.int32), 0, spatial_size[i] - 1)
        for i, f in enumerate(index_voxel_coords)
    ]
    weight = [jnp.expand_dims(x - f, -1) for x, f in zip(xy, index_voxel_coords)]
    weight_c = [1.0 - w for w in weight]
    grid_shape = xy[0].shape
    batch_coords = jnp.broadcast_to(
        jnp.arange(B).reshape((B,) + (1,) * (len(grid_shape) - 1)), grid_shape
    )
    sc = (spatial_coords, spatial_coords_plus1)
    binary_codes = [
        [int(c) for c in format(i, '0%ib' % spatial_rank)]
        for i in range(2 ** spatial_rank)
    ]

    def make_sample(bc):
        idx = (batch_coords,) + tuple(sc[c][i] for i, c in enumerate(bc))
        return inputs[idx]  # advanced-index gather -> grid_shape + [C]

    samples = [make_sample(bc) for bc in binary_codes]

    def pyramid_combination(samples, weight, weight_c):
        if len(weight) == 1:
            return samples[0] * weight_c[0] + samples[1] * weight[0]
        return (
            pyramid_combination(samples[::2], weight[:-1], weight_c[:-1]) * weight_c[-1]
            + pyramid_combination(samples[1::2], weight[:-1], weight_c[:-1]) * weight[-1]
        )

    return pyramid_combination(samples, weight, weight_c)


def reference(inputs, sample_coords):
    return _resample_linear_replicate(inputs, sample_coords)

if __name__ == "__main__":
    import jax
    _d = setup_inputs()
    print(jax.jit(kernel)(*tuple(_d.values())))

</pallas_src>

<mosaic_0001>
#map = affine_map<(d0, d1) -> (0, 0)>
#map1 = affine_map<(d0, d1) -> (0)>
module attributes {stable_mosaic.version = 14 : i64} {
  func.func @_sc_body(%arg0: i32, %arg1: i32, %arg2: memref<4194304x4xf32, #tpu.memory_space<hbm>>, %arg3: memref<524288xf32, #tpu.memory_space<hbm>>, %arg4: memref<524288xf32, #tpu.memory_space<hbm>>, %arg5: memref<524288xf32, #tpu.memory_space<hbm>>, %arg6: memref<8192x512xf32, #tpu.memory_space<hbm>>, %arg7: memref<1024xf32, #tpu.memory_space<vmem>>, %arg8: memref<1024xf32, #tpu.memory_space<vmem>>, %arg9: memref<1024xf32, #tpu.memory_space<vmem>>, %arg10: memref<1024xf32, #tpu.memory_space<vmem>>, %arg11: memref<1024xf32, #tpu.memory_space<vmem>>, %arg12: memref<1024xf32, #tpu.memory_space<vmem>>, %arg13: memref<8192xi32, #tpu.memory_space<vmem>>, %arg14: memref<8192x4xf32, #tpu.memory_space<vmem>>, %arg15: memref<16x512xf32, #tpu.memory_space<vmem>>, %arg16: memref<!tpu.dma_semaphore, #tpu.memory_space<semaphore_mem>>, %arg17: memref<!tpu.dma_semaphore, #tpu.memory_space<semaphore_mem>>) attributes {dimension_semantics = [#tpu.dimension_semantics<core_parallel>, #tpu.dimension_semantics<subcore_parallel>], iteration_bounds = array<i64: 2, 16>, scalar_prefetch = 0 : i64, scratch_operands = 11 : i64, tpu.core_type = #tpu.core_type<sc_vector_subcore>, window_params = [{transform_indices = #map}, {transform_indices = #map1}, {transform_indices = #map1}, {transform_indices = #map1}, {transform_indices = #map}]} {
    %mul3A = arith.constant 2 : i32
    %mul3A_0 = arith.muli %arg1, %mul3A : i32
    %add3A = arith.addi %mul3A_0, %arg0 : i32
    %mul3A_1 = arith.constant 16384 : i32
    %mul3A_2 = arith.muli %add3A, %mul3A_1 : i32
    %iota3A = tpu.iota {dimensions = array<i32: 0>} : vector<16xi32>
    %scan3A = arith.constant 0 : i32
    %scan3A_3 = arith.constant 16 : i32
    %scan3A_4 = arith.addi %scan3A, %scan3A_3 : i32
    %scan3A_5 = arith.constant 1 : i32
    scf.for %scan3A_7 = %scan3A to %scan3A_4 step %scan3A_5  : i32 {
      %mul3A_8 = arith.constant 1 : i32
      %mul3A_9 = arith.muli %scan3A_7, %mul3A_8 : i32
      %add3A_10 = arith.constant 0 : i32
      %add3A_11 = arith.addi %add3A_10, %mul3A_9 : i32
      %mul3A_12 = arith.constant 1024 : i32
      %mul3A_13 = arith.muli %add3A_11, %mul3A_12 : i32
      %add3A_14 = arith.addi %mul3A_2, %mul3A_13 : i32
      "tpu.region"() ({
        %run_scoped3A = tpu.sem_alloc : memref<!tpu.dma_semaphore, #tpu.memory_space<semaphore_mem>>
        %dma_start3A = tpu.memref_slice %arg3[%add3A_14] : memref<524288xf32, #tpu.memory_space<hbm>> -> memref<1024xf32, #tpu.memory_space<hbm>>
        %dma_start3A_31 = tpu.memref_slice %arg3[%add3A_14] : memref<524288xf32, #tpu.memory_space<hbm>> -> memref<1024xf32, #tpu.memory_space<hbm>>
        tpu.enqueue_dma source(%dma_start3A_31 : memref<1024xf32, #tpu.memory_space<hbm>>) target(%arg7 : memref<1024xf32, #tpu.memory_space<vmem>>) target_semaphore(%run_scoped3A : memref<!tpu.dma_semaphore, #tpu.memory_space<semaphore_mem>>)
        %dma_wait3A = tpu.memref_slice %arg3[%add3A_14] : memref<524288xf32, #tpu.memory_space<hbm>> -> memref<1024xf32, #tpu.memory_space<hbm>>
        %dma_wait3A_32 = tpu.memref_slice %arg3[%add3A_14] : memref<524288xf32, #tpu.memory_space<hbm>> -> memref<1024xf32, #tpu.memory_space<hbm>>
        tpu.wait_dma2 semaphore(%run_scoped3A : memref<!tpu.dma_semaphore, #tpu.memory_space<semaphore_mem>>) src(%dma_wait3A_32 : memref<1024xf32, #tpu.memory_space<hbm>>) dst(%arg7 : memref<1024xf32, #tpu.memory_space<vmem>>)
        tpu.yield
      }) : () -> ()
      "tpu.region"() ({
        %run_scoped3A = tpu.sem_alloc : memref<!tpu.dma_semaphore, #tpu.memory_space<semaphore_mem>>
        %dma_start3A = tpu.memref_slice %arg4[%add3A_14] : memref<524288xf32, #tpu.memory_space<hbm>> -> memref<1024xf32, #tpu.memory_space<hbm>>
        %dma_start3A_31 = tpu.memref_slice %arg4[%add3A_14] : memref<524288xf32, #tpu.memory_space<hbm>> -> memref<1024xf32, #tpu.memory_space<hbm>>
        tpu.enqueue_dma source(%dma_start3A_31 : memref<1024xf32, #tpu.memory_space<hbm>>) target(%arg8 : memref<1024xf32, #tpu.memory_space<vmem>>) target_semaphore(%run_scoped3A : memref<!tpu.dma_semaphore, #tpu.memory_space<semaphore_mem>>)
        %dma_wait3A = tpu.memref_slice %arg4[%add3A_14] : memref<524288xf32, #tpu.memory_space<hbm>> -> memref<1024xf32, #tpu.memory_space<hbm>>
        %dma_wait3A_32 = tpu.memref_slice %arg4[%add3A_14] : memref<524288xf32, #tpu.memory_space<hbm>> -> memref<1024xf32, #tpu.memory_space<hbm>>
        tpu.wait_dma2 semaphore(%run_scoped3A : memref<!tpu.dma_semaphore, #tpu.memory_space<semaphore_mem>>) src(%dma_wait3A_32 : memref<1024xf32, #tpu.memory_space<hbm>>) dst(%arg8 : memref<1024xf32, #tpu.memory_space<vmem>>)
        tpu.yield
      }) : () -> ()
      "tpu.region"() ({
        %run_scoped3A = tpu.sem_alloc : memref<!tpu.dma_semaphore, #tpu.memory_space<semaphore_mem>>
        %dma_start3A = tpu.memref_slice %arg5[%add3A_14] : memref<524288xf32, #tpu.memory_space<hbm>> -> memref<1024xf32, #tpu.memory_space<hbm>>
        %dma_start3A_31 = tpu.memref_slice %arg5[%add3A_14] : memref<524288xf32, #tpu.memory_space<hbm>> -> memref<1024xf32, #tpu.memory_space<hbm>>
        tpu.enqueue_dma source(%dma_start3A_31 : memref<1024xf32, #tpu.memory_space<hbm>>) target(%arg9 : memref<1024xf32, #tpu.memory_space<vmem>>) target_semaphore(%run_scoped3A : memref<!tpu.dma_semaphore, #tpu.memory_space<semaphore_mem>>)
        %dma_wait3A = tpu.memref_slice %arg5[%add3A_14] : memref<524288xf32, #tpu.memory_space<hbm>> -> memref<1024xf32, #tpu.memory_space<hbm>>
        %dma_wait3A_32 = tpu.memref_slice %arg5[%add3A_14] : memref<524288xf32, #tpu.memory_space<hbm>> -> memref<1024xf32, #tpu.memory_space<hbm>>
        tpu.wait_dma2 semaphore(%run_scoped3A : memref<!tpu.dma_semaphore, #tpu.memory_space<semaphore_mem>>) src(%dma_wait3A_32 : memref<1024xf32, #tpu.memory_space<hbm>>) dst(%arg9 : memref<1024xf32, #tpu.memory_space<vmem>>)
        tpu.yield
      }) : () -> ()
      %scan3A_15 = arith.constant 0 : i32
      %scan3A_16 = arith.constant 64 : i32
      %scan3A_17 = arith.addi %scan3A_15, %scan3A_16 : i32
      %scan3A_18 = arith.constant 1 : i32
      scf.for %scan3A_31 = %scan3A_15 to %scan3A_17 step %scan3A_18  : i32 {
        %mul3A_32 = arith.constant 16 : i32
        %mul3A_33 = arith.muli %scan3A_31, %mul3A_32 : i32
        %add3A_34 = arith.constant 0 : i32
        %add3A_35 = arith.addi %add3A_34, %mul3A_33 : i32
        %get3A = arith.index_cast %add3A_35 : i32 to index
        %get3A_36 = tpu.vector_load %arg7[%get3A] {strides = array<i32>} : memref<1024xf32, #tpu.memory_space<vmem>>, vector<16xf32>,
        %get3A_37 = arith.index_cast %add3A_35 : i32 to index
        %get3A_38 = tpu.vector_load %arg8[%get3A_37] {strides = array<i32>} : memref<1024xf32, #tpu.memory_space<vmem>>, vector<16xf32>,
        %get3A_39 = arith.index_cast %add3A_35 : i32 to index
        %get3A_40 = tpu.vector_load %arg9[%get3A_39] {strides = array<i32>} : memref<1024xf32, #tpu.memory_space<vmem>>, vector<16xf32>,
        %convert_element_type3A = arith.fptosi %get3A_36 : vector<16xf32> to vector<16xi32>
        %jit3A = arith.constant 0 : i32
        %jit3A_41 = arith.constant 126 : i32
        %max3A = vector.broadcast %jit3A : i32 to vector<16xi32>
        %max3A_42 = arith.maxsi %max3A, %convert_element_type3A : vector<16xi32>
        %min3A = vector.broadcast %jit3A_41 : i32 to vector<16xi32>
        %min3A_43 = arith.minsi %min3A, %max3A_42 : vector<16xi32>
        %convert_element_type3A_44 = arith.fptosi %get3A_38 : vector<16xf32> to vector<16xi32>
        %jit3A_45 = arith.constant 0 : i32
        %jit3A_46 = arith.constant 126 : i32
        %max3A_47 = vector.broadcast %jit3A_45 : i32 to vector<16xi32>
        %max3A_48 = arith.maxsi %max3A_47, %convert_element_type3A_44 : vector<16xi32>
        %min3A_49 = vector.broadcast %jit3A_46 : i32 to vector<16xi32>
        %min3A_50 = arith.minsi %min3A_49, %max3A_48 : vector<16xi32>
        %convert_element_type3A_51 = arith.fptosi %get3A_40 : vector<16xf32> to vector<16xi32>
        %jit3A_52 = arith.constant 0 : i32
        %jit3A_53 = arith.constant 126 : i32
        %max3A_54 = vector.broadcast %jit3A_52 : i32 to vector<16xi32>
        %max3A_55 = arith.maxsi %max3A_54, %convert_element_type3A_51 : vector<16xi32>
        %min3A_56 = vector.broadcast %jit3A_53 : i32 to vector<16xi32>
        %min3A_57 = arith.minsi %min3A_56, %max3A_55 : vector<16xi32>
        %convert_element_type3A_58 = arith.sitofp %min3A_43 : vector<16xi32> to vector<16xf32>
        %sub3A = arith.subf %get3A_36, %convert_element_type3A_58 : vector<16xf32>
        %jit3A_59 = arith.constant 0.000000e+00 : f32
        %jit3A_60 = arith.constant 1.000000e+00 : f32
        %max3A_61 = vector.broadcast %jit3A_59 : f32 to vector<16xf32>
        %max3A_62 = arith.maximumf %max3A_61, %sub3A : vector<16xf32>
        %min3A_63 = vector.broadcast %jit3A_60 : f32 to vector<16xf32>
        %min3A_64 = arith.minimumf %min3A_63, %max3A_62 : vector<16xf32>
        %swap3A = arith.index_cast %add3A_35 : i32 to index
        %swap3A_65 = tpu.vector_load %arg10[%swap3A] {strides = array<i32>} : memref<1024xf32, #tpu.memory_space<vmem>>, vector<16xf32>,
        tpu.vector_store %arg10[%swap3A], %min3A_64 {strides = array<i32>} : memref<1024xf32, #tpu.memory_space<vmem>>, vector<16xf32>,
        %convert_element_type3A_66 = arith.sitofp %min3A_50 : vector<16xi32> to vector<16xf32>
        %sub3A_67 = arith.subf %get3A_38, %convert_element_type3A_66 : vector<16xf32>
        %jit3A_68 = arith.constant 0.000000e+00 : f32
        %jit3A_69 = arith.constant 1.000000e+00 : f32
        %max3A_70 = vector.broadcast %jit3A_68 : f32 to vector<16xf32>
        %max3A_71 = arith.maximumf %max3A_70, %sub3A_67 : vector<16xf32>
        %min3A_72 = vector.broadcast %jit3A_69 : f32 to vector<16xf32>
        %min3A_73 = arith.minimumf %min3A_72, %max3A_71 : vector<16xf32>
        %swap3A_74 = arith.index_cast %add3A_35 : i32 to index
        %swap3A_75 = tpu.vector_load %arg11[%swap3A_74] {strides = array<i32>} : memref<1024xf32, #tpu.memory_space<vmem>>, vector<16xf32>,
        tpu.vector_store %arg11[%swap3A_74], %min3A_73 {strides = array<i32>} : memref<1024xf32, #tpu.memory_space<vmem>>, vector<16xf32>,
        %convert_element_type3A_76 = arith.sitofp %min3A_57 : vector<16xi32> to vector<16xf32>
        %sub3A_77 = arith.subf %get3A_40, %convert_element_type3A_76 : vector<16xf32>
        %jit3A_78 = arith.constant 0.000000e+00 : f32
        %jit3A_79 = arith.constant 1.000000e+00 : f32
        %max3A_80 = vector.broadcast %jit3A_78 : f32 to vector<16xf32>
        %max3A_81 = arith.maximumf %max3A_80, %sub3A_77 : vector<16xf32>
        %min3A_82 = vector.broadcast %jit3A_79 : f32 to vector<16xf32>
        %min3A_83 = arith.minimumf %min3A_82, %max3A_81 : vector<16xf32>
        %swap3A_84 = arith.index_cast %add3A_35 : i32 to index
        %swap3A_85 = tpu.vector_load %arg12[%swap3A_84] {strides = array<i32>} : memref<1024xf32, #tpu.memory_space<vmem>>, vector<16xf32>,
        tpu.vector_store %arg12[%swap3A_84], %min3A_83 {strides = array<i32>} : memref<1024xf32, #tpu.memory_space<vmem>>, vector<16xf32>,
        %add3A_86 = arith.addi %add3A_14, %add3A_35 : i32
        %add3A_87 = vector.broadcast %add3A_86 : i32 to vector<16xi32>
        %add3A_88 = arith.addi %add3A_87, %iota3A : vector<16xi32>
        %shift_right_arithmetic3A_89 = arith.constant 18 : i32
        %shift_right_arithmetic3A_90 = vector.broadcast %shift_right_arithmetic3A_89 : i32 to vector<16xi32>
        %shift_right_arithmetic3A_91 = arith.shrsi %add3A_88, %shift_right_arithmetic3A_90 : vector<16xi32>
        %shift_left3A = arith.constant 21 : i32
        %shift_left3A_92 = vector.broadcast %shift_left3A : i32 to vector<16xi32>
        %shift_left3A_93 = arith.shli %shift_right_arithmetic3A_91, %shift_left3A_92 : vector<16xi32>
        %shift_left3A_94 = arith.constant 14 : i32
        %shift_left3A_95 = vector.broadcast %shift_left3A_94 : i32 to vector<16xi32>
        %shift_left3A_96 = arith.shli %min3A_43, %shift_left3A_95 : vector<16xi32>
        %add3A_97 = arith.addi %shift_left3A_93, %shift_left3A_96 : vector<16xi32>
        %shift_left3A_98 = arith.constant 7 : i32
        %shift_left3A_99 = vector.broadcast %shift_left3A_98 : i32 to vector<16xi32>
        %shift_left3A_100 = arith.shli %min3A_50, %shift_left3A_99 : vector<16xi32>
        %add3A_101 = arith.addi %add3A_97, %shift_left3A_100 : vector<16xi32>
        %add3A_102 = arith.addi %add3A_101, %min3A_57 : vector<16xi32>
        %add3A_103 = arith.constant 0 : i32
        %add3A_104 = vector.broadcast %add3A_103 : i32 to vector<16xi32>
        %add3A_105 = arith.addi %add3A_102, %add3A_104 : vector<16xi32>
        %add3A_106 = arith.constant 0 : i32
        %add3A_107 = arith.addi %add3A_106, %add3A_35 : i32
        %swap3A_108 = arith.index_cast %add3A_107 : i32 to index
        %swap3A_109 = tpu.vector_load %arg13[%swap3A_108] {strides = array<i32>} : memref<8192xi32, #tpu.memory_space<vmem>>, vector<16xi32>,
        tpu.vector_store %arg13[%swap3A_108], %add3A_105 {strides = array<i32>} : memref<8192xi32, #tpu.memory_space<vmem>>, vector<16xi32>,
        %add3A_110 = arith.constant 1 : i32
        %add3A_111 = vector.broadcast %add3A_110 : i32 to vector<16xi32>
        %add3A_112 = arith.addi %add3A_102, %add3A_111 : vector<16xi32>
        %add3A_113 = arith.constant 1024 : i32
        %add3A_114 = arith.addi %add3A_113, %add3A_35 : i32
        %swap3A_115 = arith.index_cast %add3A_114 : i32 to index
        %swap3A_116 = tpu.vector_load %arg13[%swap3A_115] {strides = array<i32>} : memref<8192xi32, #tpu.memory_space<vmem>>, vector<16xi32>,
        tpu.vector_store %arg13[%swap3A_115], %add3A_112 {strides = array<i32>} : memref<8192xi32, #tpu.memory_space<vmem>>, vector<16xi32>,
        %add3A_117 = arith.constant 128 : i32
        %add3A_118 = vector.broadcast %add3A_117 : i32 to vector<16xi32>
        %add3A_119 = arith.addi %add3A_102, %add3A_118 : vector<16xi32>
        %add3A_120 = arith.constant 2048 : i32
        %add3A_121 = arith.addi %add3A_120, %add3A_35 : i32
        %swap3A_122 = arith.index_cast %add3A_121 : i32 to index
        %swap3A_123 = tpu.vector_load %arg13[%swap3A_122] {strides = array<i32>} : memref<8192xi32, #tpu.memory_space<vmem>>, vector<16xi32>,
        tpu.vector_store %arg13[%swap3A_122], %add3A_119 {strides = array<i32>} : memref<8192xi32, #tpu.memory_space<vmem>>, vector<16xi32>,
        %add3A_124 = arith.constant 129 : i32
        %add3A_125 = vector.broadcast %add3A_124 : i32 to vector<16xi32>
        %add3A_126 = arith.addi %add3A_102, %add3A_125 : vector<16xi32>
        %add3A_127 = arith.constant 3072 : i32
        %add3A_128 = arith.addi %add3A_127, %add3A_35 : i32
        %swap3A_129 = arith.index_cast %add3A_128 : i32 to index
        %swap3A_130 = tpu.vector_load %arg13[%swap3A_129] {strides = array<i32>} : memref<8192xi32, #tpu.memory_space<vmem>>, vector<16xi32>,
        tpu.vector_store %arg13[%swap3A_129], %add3A_126 {strides = array<i32>} : memref<8192xi32, #tpu.memory_space<vmem>>, vector<16xi32>,
        %add3A_131 = arith.constant 16384 : i32
        %add3A_132 = vector.broadcast %add3A_131 : i32 to vector<16xi32>
        %add3A_133 = arith.addi %add3A_102, %add3A_132 : vector<16xi32>
        %add3A_134 = arith.constant 4096 : i32
        %add3A_135 = arith.addi %add3A_134, %add3A_35 : i32
        %swap3A_136 = arith.index_cast %add3A_135 : i32 to index
        %swap3A_137 = tpu.vector_load %arg13[%swap3A_136] {strides = array<i32>} : memref<8192xi32, #tpu.memory_space<vmem>>, vector<16xi32>,
        tpu.vector_store %arg13[%swap3A_136], %add3A_133 {strides = array<i32>} : memref<8192xi32, #tpu.memory_space<vmem>>, vector<16xi32>,
        %add3A_138 = arith.constant 16385 : i32
        %add3A_139 = vector.broadcast %add3A_138 : i32 to vector<16xi32>
        %add3A_140 = arith.addi %add3A_102, %add3A_139 : vector<16xi32>
        %add3A_141 = arith.constant 5120 : i32
        %add3A_142 = arith.addi %add3A_141, %add3A_35 : i32
        %swap3A_143 = arith.index_cast %add3A_142 : i32 to index
        %swap3A_144 = tpu.vector_load %arg13[%swap3A_143] {strides = array<i32>} : memref<8192xi32, #tpu.memory_space<vmem>>, vector<16xi32>,
        tpu.vector_store %arg13[%swap3A_143], %add3A_140 {strides = array<i32>} : memref<8192xi32, #tpu.memory_space<vmem>>, vector<16xi32>,
        %add3A_145 = arith.constant 16512 : i32
        %add3A_146 = vector.broadcast %add3A_145 : i32 to vector<16xi32>
        %add3A_147 = arith.addi %add3A_102, %add3A_146 : vector<16xi32>
        %add3A_148 = arith.constant 6144 : i32
        %add3A_149 = arith.addi %add3A_148, %add3A_35 : i32
        %swap3A_150 = arith.index_cast %add3A_149 : i32 to index
        %swap3A_151 = tpu.vector_load %arg13[%swap3A_150] {strides = array<i32>} : memref<8192xi32, #tpu.memory_space<vmem>>, vector<16xi32>,
        tpu.vector_store %arg13[%swap3A_150], %add3A_147 {strides = array<i32>} : memref<8192xi32, #tpu.memory_space<vmem>>, vector<16xi32>,
        %add3A_152 = arith.constant 16513 : i32
        %add3A_153 = vector.broadcast %add3A_152 : i32 to vector<16xi32>
        %add3A_154 = arith.addi %add3A_102, %add3A_153 : vector<16xi32>
        %add3A_155 = arith.constant 7168 : i32
        %add3A_156 = arith.addi %add3A_155, %add3A_35 : i32
        %swap3A_157 = arith.index_cast %add3A_156 : i32 to index
        %swap3A_158 = tpu.vector_load %arg13[%swap3A_157] {strides = array<i32>} : memref<8192xi32, #tpu.memory_space<vmem>>, vector<16xi32>,
        tpu.vector_store %arg13[%swap3A_157], %add3A_154 {strides = array<i32>} : memref<8192xi32, #tpu.memory_space<vmem>>, vector<16xi32>,
      }
      %scan3A_19 = arith.constant 64 : i32
      %scan3A_20 = arith.constant 0 : i32
      %scan3A_21 = arith.constant 64 : i32
      %scan3A_22 = arith.addi %scan3A_20, %scan3A_21 : i32
      %scan3A_23 = arith.constant 1 : i32
      scf.for %scan3A_31 = %scan3A_20 to %scan3A_22 step %scan3A_23  : i32 {
        %mul3A_32 = arith.constant 128 : i32
        %mul3A_33 = arith.muli %scan3A_31, %mul3A_32 : i32
        %add3A_34 = arith.constant 0 : i32
        %add3A_35 = arith.addi %add3A_34, %mul3A_33 : i32
        %dma_start3A = arith.constant 0 : i32
        %dma_start3A_36 = tpu.memref_slice %arg14[%add3A_35, %dma_start3A] : memref<8192x4xf32, #tpu.memory_space<vmem>> -> memref<128x4xf32, #tpu.memory_space<vmem>>
        %dma_start3A_37 = tpu.memref_slice %arg13[%add3A_35] : memref<8192xi32, #tpu.memory_space<vmem>> -> memref<128xi32, #tpu.memory_space<vmem>>
        %dma_start3A_38 = arith.constant 0 : i32
        %dma_start3A_39 = arith.constant 0 : i32
        %dma_start3A_40 = tpu.memref_slice %arg2[%dma_start3A_38, %dma_start3A_39] : memref<4194304x4xf32, #tpu.memory_space<hbm>> -> memref<4194304x4xf32, #tpu.memory_space<hbm>>
        tpu.enqueue_indirect_dma source(%dma_start3A_40 : memref<4194304x4xf32, #tpu.memory_space<hbm>>) target(%dma_start3A_36 : memref<128x4xf32, #tpu.memory_space<vmem>>) offsets(%dma_start3A_37 : memref<128xi32, #tpu.memory_space<vmem>>) semaphore(%arg17 : memref<!tpu.dma_semaphore, #tpu.memory_space<semaphore_mem>>)
        %dma_wait3A = arith.constant 0 : i32
        %dma_wait3A_41 = tpu.memref_slice %arg14[%add3A_35, %dma_wait3A] : memref<8192x4xf32, #tpu.memory_space<vmem>> -> memref<128x4xf32, #tpu.memory_space<vmem>>
        %dma_wait3A_42 = tpu.memref_slice %arg13[%add3A_35] : memref<8192xi32, #tpu.memory_space<vmem>> -> memref<128xi32, #tpu.memory_space<vmem>>
        %dma_wait3A_43 = arith.constant 0 : i32
        %dma_wait3A_44 = arith.constant 0 : i32
        %dma_wait3A_45 = tpu.memref_slice %arg2[%dma_wait3A_43, %dma_wait3A_44] : memref<4194304x4xf32, #tpu.memory_space<hbm>> -> memref<4194304x4xf32, #tpu.memory_space<hbm>>
        tpu.wait_indirect_dma semaphore(%arg17 : memref<!tpu.dma_semaphore, #tpu.memory_space<semaphore_mem>>) src(%dma_wait3A_45 : memref<4194304x4xf32, #tpu.memory_space<hbm>>) dst(%dma_wait3A_41 : memref<128x4xf32, #tpu.memory_space<vmem>>)
      }
      %scan3A_24 = arith.constant 64 : i32
      %scan3A_25 = arith.constant 0 : i32
      %scan3A_26 = arith.constant 64 : i32
      %scan3A_27 = arith.addi %scan3A_25, %scan3A_26 : i32
      %scan3A_28 = arith.constant 1 : i32
      scf.for %scan3A_31 = %scan3A_25 to %scan3A_27 step %scan3A_28  : i32 {
        %mul3A_32 = arith.constant 16 : i32
        %mul3A_33 = arith.muli %scan3A_31, %mul3A_32 : i32
        %add3A_34 = arith.constant 0 : i32
        %add3A_35 = arith.addi %add3A_34, %mul3A_33 : i32
        %get3A = arith.index_cast %add3A_35 : i32 to index
        %get3A_36 = tpu.vector_load %arg10[%get3A] {strides = array<i32>} : memref<1024xf32, #tpu.memory_space<vmem>>, vector<16xf32>,
        %get3A_37 = arith.index_cast %add3A_35 : i32 to index
        %get3A_38 = tpu.vector_load %arg11[%get3A_37] {strides = array<i32>} : memref<1024xf32, #tpu.memory_space<vmem>>, vector<16xf32>,
        %get3A_39 = arith.index_cast %add3A_35 : i32 to index
        %get3A_40 = tpu.vector_load %arg12[%get3A_39] {strides = array<i32>} : memref<1024xf32, #tpu.memory_space<vmem>>, vector<16xf32>,
        %add3A_41 = vector.broadcast %add3A_35 : i32 to vector<16xi32>
        %add3A_42 = arith.addi %add3A_41, %iota3A : vector<16xi32>
        %broadcast_in_dim3A = arith.constant 0 : i32
        %broadcast_in_dim3A_43 = vector.broadcast %broadcast_in_dim3A : i32 to vector<16xi32>
        %add3A_44 = arith.constant 0 : i32
        %add3A_45 = vector.broadcast %add3A_44 : i32 to vector<16xi32>
        %add3A_46 = arith.addi %add3A_45, %add3A_42 : vector<16xi32>
        %gather3A = tpu.vector_load_idx %arg14[%add3A_46, %broadcast_in_dim3A_43] : memref<8192x4xf32, #tpu.memory_space<vmem>>[vector<16xi32>, vector<16xi32>], vector<16xf32>,
        %add3A_47 = arith.constant 1024 : i32
        %add3A_48 = vector.broadcast %add3A_47 : i32 to vector<16xi32>
        %add3A_49 = arith.addi %add3A_48, %add3A_42 : vector<16xi32>
        %gather3A_50 = tpu.vector_load_idx %arg14[%add3A_49, %broadcast_in_dim3A_43] : memref<8192x4xf32, #tpu.memory_space<vmem>>[vector<16xi32>, vector<16xi32>], vector<16xf32>,
        %add3A_51 = arith.constant 2048 : i32
        %add3A_52 = vector.broadcast %add3A_51 : i32 to vector<16xi32>
        %add3A_53 = arith.addi %add3A_52, %add3A_42 : vector<16xi32>
        %gather3A_54 = tpu.vector_load_idx %arg14[%add3A_53, %broadcast_in_dim3A_43] : memref<8192x4xf32, #tpu.memory_space<vmem>>[vector<16xi32>, vector<16xi32>], vector<16xf32>,
        %add3A_55 = arith.constant 3072 : i32
        %add3A_56 = vector.broadcast %add3A_55 : i32 to vector<16xi32>
        %add3A_57 = arith.addi %add3A_56, %add3A_42 : vector<16xi32>
        %gather3A_58 = tpu.vector_load_idx %arg14[%add3A_57, %broadcast_in_dim3A_43] : memref<8192x4xf32, #tpu.memory_space<vmem>>[vector<16xi32>, vector<16xi32>], vector<16xf32>,
        %add3A_59 = arith.constant 4096 : i32
        %add3A_60 = vector.broadcast %add3A_59 : i32 to vector<16xi32>
        %add3A_61 = arith.addi %add3A_60, %add3A_42 : vector<16xi32>
        %gather3A_62 = tpu.vector_load_idx %arg14[%add3A_61, %broadcast_in_dim3A_43] : memref<8192x4xf32, #tpu.memory_space<vmem>>[vector<16xi32>, vector<16xi32>], vector<16xf32>,
        %add3A_63 = arith.constant 5120 : i32
        %add3A_64 = vector.broadcast %add3A_63 : i32 to vector<16xi32>
        %add3A_65 = arith.addi %add3A_64, %add3A_42 : vector<16xi32>
        %gather3A_66 = tpu.vector_load_idx %arg14[%add3A_65, %broadcast_in_dim3A_43] : memref<8192x4xf32, #tpu.memory_space<vmem>>[vector<16xi32>, vector<16xi32>], vector<16xf32>,
        %add3A_67 = arith.constant 6144 : i32
        %add3A_68 = vector.broadcast %add3A_67 : i32 to vector<16xi32>
        %add3A_69 = arith.addi %add3A_68, %add3A_42 : vector<16xi32>
        %gather3A_70 = tpu.vector_load_idx %arg14[%add3A_69, %broadcast_in_dim3A_43] : memref<8192x4xf32, #tpu.memory_space<vmem>>[vector<16xi32>, vector<16xi32>], vector<16xf32>,
        %add3A_71 = arith.constant 7168 : i32
        %add3A_72 = vector.broadcast %add3A_71 : i32 to vector<16xi32>
        %add3A_73 = arith.addi %add3A_72, %add3A_42 : vector<16xi32>
        %gather3A_74 = tpu.vector_load_idx %arg14[%add3A_73, %broadcast_in_dim3A_43] : memref<8192x4xf32, #tpu.memory_space<vmem>>[vector<16xi32>, vector<16xi32>], vector<16xf32>,
        %sub3A = arith.subf %gather3A_50, %gather3A : vector<16xf32>
        %mul3A_75 = arith.mulf %get3A_40, %sub3A : vector<16xf32>
        %add3A_76 = arith.addf %gather3A, %mul3A_75 : vector<16xf32>
        %sub3A_77 = arith.subf %gather3A_58, %gather3A_54 : vector<16xf32>
        %mul3A_78 = arith.mulf %get3A_40, %sub3A_77 : vector<16xf32>
        %add3A_79 = arith.addf %gather3A_54, %mul3A_78 : vector<16xf32>
        %sub3A_80 = arith.subf %gather3A_66, %gather3A_62 : vector<16xf32>
        %mul3A_81 = arith.mulf %get3A_40, %sub3A_80 : vector<16xf32>
        %add3A_82 = arith.addf %gather3A_62, %mul3A_81 : vector<16xf32>
        %sub3A_83 = arith.subf %gather3A_74, %gather3A_70 : vector<16xf32>
        %mul3A_84 = arith.mulf %get3A_40, %sub3A_83 : vector<16xf32>
        %add3A_85 = arith.addf %gather3A_70, %mul3A_84 : vector<16xf32>
        %sub3A_86 = arith.subf %add3A_79, %add3A_76 : vector<16xf32>
        %mul3A_87 = arith.mulf %get3A_38, %sub3A_86 : vector<16xf32>
        %add3A_88 = arith.addf %add3A_76, %mul3A_87 : vector<16xf32>
        %sub3A_89 = arith.subf %add3A_85, %add3A_82 : vector<16xf32>
        %mul3A_90 = arith.mulf %get3A_38, %sub3A_89 : vector<16xf32>
        %add3A_91 = arith.addf %add3A_82, %mul3A_90 : vector<16xf32>
        %shift_right_arithmetic3A_92 = arith.constant 6 : i32
        %shift_right_arithmetic3A_93 = vector.broadcast %shift_right_arithmetic3A_92 : i32 to vector<16xi32>
        %shift_right_arithmetic3A_94 = arith.shrsi %add3A_42, %shift_right_arithmetic3A_93 : vector<16xi32>
        %shift_left3A = arith.constant 9 : i32
        %shift_left3A_95 = vector.broadcast %shift_left3A : i32 to vector<16xi32>
        %shift_left3A_96 = arith.shli %shift_right_arithmetic3A_94, %shift_left3A_95 : vector<16xi32>
        %add3A_97 = arith.constant 0 : i32
        %add3A_98 = vector.broadcast %add3A_97 : i32 to vector<16xi32>
        %add3A_99 = arith.addi %shift_left3A_96, %add3A_98 : vector<16xi32>
        %and3A = arith.constant 63 : i32
        %and3A_100 = vector.broadcast %and3A : i32 to vector<16xi32>
        %and3A_101 = arith.andi %add3A_42, %and3A_100 : vector<16xi32>
        %add3A_102 = arith.addi %add3A_99, %and3A_101 : vector<16xi32>
        %shift_right_arithmetic3A_103 = arith.constant 9 : i32
        %shift_right_arithmetic3A_104 = vector.broadcast %shift_right_arithmetic3A_103 : i32 to vector<16xi32>
        %shift_right_arithmetic3A_105 = arith.shrsi %add3A_102, %shift_right_arithmetic3A_104 : vector<16xi32>
        %and3A_106 = arith.constant 511 : i32
        %and3A_107 = vector.broadcast %and3A_106 : i32 to vector<16xi32>
        %and3A_108 = arith.andi %add3A_102, %and3A_107 : vector<16xi32>
        %sub3A_109 = arith.subf %add3A_91, %add3A_88 : vector<16xf32>
        %mul3A_110 = arith.mulf %get3A_36, %sub3A_109 : vector<16xf32>
        %add3A_111 = arith.addf %add3A_88, %mul3A_110 : vector<16xf32>
        tpu.vector_store_idx %arg15[%shift_right_arithmetic3A_105, %and3A_108], %add3A_111 : memref<16x512xf32, #tpu.memory_space<vmem>>[vector<16xi32>, vector<16xi32>], vector<16xf32>,
        %broadcast_in_dim3A_112 = arith.constant 1 : i32
        %broadcast_in_dim3A_113 = vector.broadcast %broadcast_in_dim3A_112 : i32 to vector<16xi32>
        %add3A_114 = arith.constant 0 : i32
        %add3A_115 = vector.broadcast %add3A_114 : i32 to vector<16xi32>
        %add3A_116 = arith.addi %add3A_115, %add3A_42 : vector<16xi32>
        %gather3A_117 = tpu.vector_load_idx %arg14[%add3A_116, %broadcast_in_dim3A_113] : memref<8192x4xf32, #tpu.memory_space<vmem>>[vector<16xi32>, vector<16xi32>], vector<16xf32>,
        %add3A_118 = arith.constant 1024 : i32
        %add3A_119 = vector.broadcast %add3A_118 : i32 to vector<16xi32>
        %add3A_120 = arith.addi %add3A_119, %add3A_42 : vector<16xi32>
        %gather3A_121 = tpu.vector_load_idx %arg14[%add3A_120, %broadcast_in_dim3A_113] : memref<8192x4xf32, #tpu.memory_space<vmem>>[vector<16xi32>, vector<16xi32>], vector<16xf32>,
        %add3A_122 = arith.constant 2048 : i32
        %add3A_123 = vector.broadcast %add3A_122 : i32 to vector<16xi32>
        %add3A_124 = arith.addi %add3A_123, %add3A_42 : vector<16xi32>
        %gather3A_125 = tpu.vector_load_idx %arg14[%add3A_124, %broadcast_in_dim3A_113] : memref<8192x4xf32, #tpu.memory_space<vmem>>[vector<16xi32>, vector<16xi32>], vector<16xf32>,
        %add3A_126 = arith.constant 3072 : i32
        %add3A_127 = vector.broadcast %add3A_126 : i32 to vector<16xi32>
        %add3A_128 = arith.addi %add3A_127, %add3A_42 : vector<16xi32>
        %gather3A_129 = tpu.vector_load_idx %arg14[%add3A_128, %broadcast_in_dim3A_113] : memref<8192x4xf32, #tpu.memory_space<vmem>>[vector<16xi32>, vector<16xi32>], vector<16xf32>,
        %add3A_130 = arith.constant 4096 : i32
        %add3A_131 = vector.broadcast %add3A_130 : i32 to vector<16xi32>
        %add3A_132 = arith.addi %add3A_131, %add3A_42 : vector<16xi32>
        %gather3A_133 = tpu.vector_load_idx %arg14[%add3A_132, %broadcast_in_dim3A_113] : memref<8192x4xf32, #tpu.memory_space<vmem>>[vector<16xi32>, vector<16xi32>], vector<16xf32>,
        %add3A_134 = arith.constant 5120 : i32
        %add3A_135 = vector.broadcast %add3A_134 : i32 to vector<16xi32>
        %add3A_136 = arith.addi %add3A_135, %add3A_42 : vector<16xi32>
        %gather3A_137 = tpu.vector_load_idx %arg14[%add3A_136, %broadcast_in_dim3A_113] : memref<8192x4xf32, #tpu.memory_space<vmem>>[vector<16xi32>, vector<16xi32>], vector<16xf32>,
        %add3A_138 = arith.constant 6144 : i32
        %add3A_139 = vector.broadcast %add3A_138 : i32 to vector<16xi32>
        %add3A_140 = arith.addi %add3A_139, %add3A_42 : vector<16xi32>
        %gather3A_141 = tpu.vector_load_idx %arg14[%add3A_140, %broadcast_in_dim3A_113] : memref<8192x4xf32, #tpu.memory_space<vmem>>[vector<16xi32>, vector<16xi32>], vector<16xf32>,
        %add3A_142 = arith.constant 7168 : i32
        %add3A_143 = vector.broadcast %add3A_142 : i32 to vector<16xi32>
        %add3A_144 = arith.addi %add3A_143, %add3A_42 : vector<16xi32>
        %gather3A_145 = tpu.vector_load_idx %arg14[%add3A_144, %broadcast_in_dim3A_113] : memref<8192x4xf32, #tpu.memory_space<vmem>>[vector<16xi32>, vector<16xi32>], vector<16xf32>,
        %sub3A_146 = arith.subf %gather3A_121, %gather3A_117 : vector<16xf32>
        %mul3A_147 = arith.mulf %get3A_40, %sub3A_146 : vector<16xf32>
        %add3A_148 = arith.addf %gather3A_117, %mul3A_147 : vector<16xf32>
        %sub3A_149 = arith.subf %gather3A_129, %gather3A_125 : vector<16xf32>
        %mul3A_150 = arith.mulf %get3A_40, %sub3A_149 : vector<16xf32>
        %add3A_151 = arith.addf %gather3A_125, %mul3A_150 : vector<16xf32>
        %sub3A_152 = arith.subf %gather3A_137, %gather3A_133 : vector<16xf32>
        %mul3A_153 = arith.mulf %get3A_40, %sub3A_152 : vector<16xf32>
        %add3A_154 = arith.addf %gather3A_133, %mul3A_153 : vector<16xf32>
        %sub3A_155 = arith.subf %gather3A_145, %gather3A_141 : vector<16xf32>
        %mul3A_156 = arith.mulf %get3A_40, %sub3A_155 : vector<16xf32>
        %add3A_157 = arith.addf %gather3A_141, %mul3A_156 : vector<16xf32>
        %sub3A_158 = arith.subf %add3A_151, %add3A_148 : vector<16xf32>
        %mul3A_159 = arith.mulf %get3A_38, %sub3A_158 : vector<16xf32>
        %add3A_160 = arith.addf %add3A_148, %mul3A_159 : vector<16xf32>
        %sub3A_161 = arith.subf %add3A_157, %add3A_154 : vector<16xf32>
        %mul3A_162 = arith.mulf %get3A_38, %sub3A_161 : vector<16xf32>
        %add3A_163 = arith.addf %add3A_154, %mul3A_162 : vector<16xf32>
        %shift_right_arithmetic3A_164 = arith.constant 6 : i32
        %shift_right_arithmetic3A_165 = vector.broadcast %shift_right_arithmetic3A_164 : i32 to vector<16xi32>
        %shift_right_arithmetic3A_166 = arith.shrsi %add3A_42, %shift_right_arithmetic3A_165 : vector<16xi32>
        %shift_left3A_167 = arith.constant 9 : i32
        %shift_left3A_168 = vector.broadcast %shift_left3A_167 : i32 to vector<16xi32>
        %shift_left3A_169 = arith.shli %shift_right_arithmetic3A_166, %shift_left3A_168 : vector<16xi32>
        %add3A_170 = arith.constant 128 : i32
        %add3A_171 = vector.broadcast %add3A_170 : i32 to vector<16xi32>
        %add3A_172 = arith.addi %shift_left3A_169, %add3A_171 : vector<16xi32>
        %and3A_173 = arith.constant 63 : i32
        %and3A_174 = vector.broadcast %and3A_173 : i32 to vector<16xi32>
        %and3A_175 = arith.andi %add3A_42, %and3A_174 : vector<16xi32>
        %add3A_176 = arith.addi %add3A_172, %and3A_175 : vector<16xi32>
        %shift_right_arithmetic3A_177 = arith.constant 9 : i32
        %shift_right_arithmetic3A_178 = vector.broadcast %shift_right_arithmetic3A_177 : i32 to vector<16xi32>
        %shift_right_arithmetic3A_179 = arith.shrsi %add3A_176, %shift_right_arithmetic3A_178 : vector<16xi32>
        %and3A_180 = arith.constant 511 : i32
        %and3A_181 = vector.broadcast %and3A_180 : i32 to vector<16xi32>
        %and3A_182 = arith.andi %add3A_176, %and3A_181 : vector<16xi32>
        %sub3A_183 = arith.subf %add3A_163, %add3A_160 : vector<16xf32>
        %mul3A_184 = arith.mulf %get3A_36, %sub3A_183 : vector<16xf32>
        %add3A_185 = arith.addf %add3A_160, %mul3A_184 : vector<16xf32>
        tpu.vector_store_idx %arg15[%shift_right_arithmetic3A_179, %and3A_182], %add3A_185 : memref<16x512xf32, #tpu.memory_space<vmem>>[vector<16xi32>, vector<16xi32>], vector<16xf32>,
        %broadcast_in_dim3A_186 = arith.constant 2 : i32
        %broadcast_in_dim3A_187 = vector.broadcast %broadcast_in_dim3A_186 : i32 to vector<16xi32>
        %add3A_188 = arith.constant 0 : i32
        %add3A_189 = vector.broadcast %add3A_188 : i32 to vector<16xi32>
        %add3A_190 = arith.addi %add3A_189, %add3A_42 : vector<16xi32>
        %gather3A_191 = tpu.vector_load_idx %arg14[%add3A_190, %broadcast_in_dim3A_187] : memref<8192x4xf32, #tpu.memory_space<vmem>>[vector<16xi32>, vector<16xi32>], vector<16xf32>,
        %add3A_192 = arith.constant 1024 : i32
        %add3A_193 = vector.broadcast %add3A_192 : i32 to vector<16xi32>
        %add3A_194 = arith.addi %add3A_193, %add3A_42 : vector<16xi32>
        %gather3A_195 = tpu.vector_load_idx %arg14[%add3A_194, %broadcast_in_dim3A_187] : memref<8192x4xf32, #tpu.memory_space<vmem>>[vector<16xi32>, vector<16xi32>], vector<16xf32>,
        %add3A_196 = arith.constant 2048 : i32
        %add3A_197 = vector.broadcast %add3A_196 : i32 to vector<16xi32>
        %add3A_198 = arith.addi %add3A_197, %add3A_42 : vector<16xi32>
        %gather3A_199 = tpu.vector_load_idx %arg14[%add3A_198, %broadcast_in_dim3A_187] : memref<8192x4xf32, #tpu.memory_space<vmem>>[vector<16xi32>, vector<16xi32>], vector<16xf32>,
        %add3A_200 = arith.constant 3072 : i32
        %add3A_201 = vector.broadcast %add3A_200 : i32 to vector<16xi32>
        %add3A_202 = arith.addi %add3A_201, %add3A_42 : vector<16xi32>
        %gather3A_203 = tpu.vector_load_idx %arg14[%add3A_202, %broadcast_in_dim3A_187] : memref<8192x4xf32, #tpu.memory_space<vmem>>[vector<16xi32>, vector<16xi32>], vector<16xf32>,
        %add3A_204 = arith.constant 4096 : i32
        %add3A_205 = vector.broadcast %add3A_204 : i32 to vector<16xi32>
        %add3A_206 = arith.addi %add3A_205, %add3A_42 : vector<16xi32>
        %gather3A_207 = tpu.vector_load_idx %arg14[%add3A_206, %broadcast_in_dim3A_187] : memref<8192x4xf32, #tpu.memory_space<vmem>>[vector<16xi32>, vector<16xi32>], vector<16xf32>,
        %add3A_208 = arith.constant 5120 : i32
        %add3A_209 = vector.broadcast %add3A_208 : i32 to vector<16xi32>
        %add3A_210 = arith.addi %add3A_209, %add3A_42 : vector<16xi32>
        %gather3A_211 = tpu.vector_load_idx %arg14[%add3A_210, %broadcast_in_dim3A_187] : memref<8192x4xf32, #tpu.memory_space<vmem>>[vector<16xi32>, vector<16xi32>], vector<16xf32>,
        %add3A_212 = arith.constant 6144 : i32
        %add3A_213 = vector.broadcast %add3A_212 : i32 to vector<16xi32>
        %add3A_214 = arith.addi %add3A_213, %add3A_42 : vector<16xi32>
        %gather3A_215 = tpu.vector_load_idx %arg14[%add3A_214, %broadcast_in_dim3A_187] : memref<8192x4xf32, #tpu.memory_space<vmem>>[vector<16xi32>, vector<16xi32>], vector<16xf32>,
        %add3A_216 = arith.constant 7168 : i32
        %add3A_217 = vector.broadcast %add3A_216 : i32 to vector<16xi32>
        %add3A_218 = arith.addi %add3A_217, %add3A_42 : vector<16xi32>
        %gather3A_219 = tpu.vector_load_idx %arg14[%add3A_218, %broadcast_in_dim3A_187] : memref<8192x4xf32, #tpu.memory_space<vmem>>[vector<16xi32>, vector<16xi32>], vector<16xf32>,
        %sub3A_220 = arith.subf %gather3A_195, %gather3A_191 : vector<16xf32>
        %mul3A_221 = arith.mulf %get3A_40, %sub3A_220 : vector<16xf32>
        %add3A_222 = arith.addf %gather3A_191, %mul3A_221 : vector<16xf32>
        %sub3A_223 = arith.subf %gather3A_203, %gather3A_199 : vector<16xf32>
        %mul3A_224 = arith.mulf %get3A_40, %sub3A_223 : vector<16xf32>
        %add3A_225 = arith.addf %gather3A_199, %mul3A_224 : vector<16xf32>
        %sub3A_226 = arith.subf %gather3A_211, %gather3A_207 : vector<16xf32>
        %mul3A_227 = arith.mulf %get3A_40, %sub3A_226 : vector<16xf32>
        %add3A_228 = arith.addf %gather3A_207, %mul3A_227 : vector<16xf32>
        %sub3A_229 = arith.subf %gather3A_219, %gather3A_215 : vector<16xf32>
        %mul3A_230 = arith.mulf %get3A_40, %sub3A_229 : vector<16xf32>
        %add3A_231 = arith.addf %gather3A_215, %mul3A_230 : vector<16xf32>
        %sub3A_232 = arith.subf %add3A_225, %add3A_222 : vector<16xf32>
        %mul3A_233 = arith.mulf %get3A_38, %sub3A_232 : vector<16xf32>
        %add3A_234 = arith.addf %add3A_222, %mul3A_233 : vector<16xf32>
        %sub3A_235 = arith.subf %add3A_231, %add3A_228 : vector<16xf32>
        %mul3A_236 = arith.mulf %get3A_38, %sub3A_235 : vector<16xf32>
        %add3A_237 = arith.addf %add3A_228, %mul3A_236 : vector<16xf32>
        %shift_right_arithmetic3A_238 = arith.constant 6 : i32
        %shift_right_arithmetic3A_239 = vector.broadcast %shift_right_arithmetic3A_238 : i32 to vector<16xi32>
        %shift_right_arithmetic3A_240 = arith.shrsi %add3A_42, %shift_right_arithmetic3A_239 : vector<16xi32>
        %shift_left3A_241 = arith.constant 9 : i32
        %shift_left3A_242 = vector.broadcast %shift_left3A_241 : i32 to vector<16xi32>
        %shift_left3A_243 = arith.shli %shift_right_arithmetic3A_240, %shift_left3A_242 : vector<16xi32>
        %add3A_244 = arith.constant 256 : i32
        %add3A_245 = vector.broadcast %add3A_244 : i32 to vector<16xi32>
        %add3A_246 = arith.addi %shift_left3A_243, %add3A_245 : vector<16xi32>
        %and3A_247 = arith.constant 63 : i32
        %and3A_248 = vector.broadcast %and3A_247 : i32 to vector<16xi32>
        %and3A_249 = arith.andi %add3A_42, %and3A_248 : vector<16xi32>
        %add3A_250 = arith.addi %add3A_246, %and3A_249 : vector<16xi32>
        %shift_right_arithmetic3A_251 = arith.constant 9 : i32
        %shift_right_arithmetic3A_252 = vector.broadcast %shift_right_arithmetic3A_251 : i32 to vector<16xi32>
        %shift_right_arithmetic3A_253 = arith.shrsi %add3A_250, %shift_right_arithmetic3A_252 : vector<16xi32>
        %and3A_254 = arith.constant 511 : i32
        %and3A_255 = vector.broadcast %and3A_254 : i32 to vector<16xi32>
        %and3A_256 = arith.andi %add3A_250, %and3A_255 : vector<16xi32>
        %sub3A_257 = arith.subf %add3A_237, %add3A_234 : vector<16xf32>
        %mul3A_258 = arith.mulf %get3A_36, %sub3A_257 : vector<16xf32>
        %add3A_259 = arith.addf %add3A_234, %mul3A_258 : vector<16xf32>
        tpu.vector_store_idx %arg15[%shift_right_arithmetic3A_253, %and3A_256], %add3A_259 : memref<16x512xf32, #tpu.memory_space<vmem>>[vector<16xi32>, vector<16xi32>], vector<16xf32>,
        %broadcast_in_dim3A_260 = arith.constant 3 : i32
        %broadcast_in_dim3A_261 = vector.broadcast %broadcast_in_dim3A_260 : i32 to vector<16xi32>
        %add3A_262 = arith.constant 0 : i32
        %add3A_263 = vector.broadcast %add3A_262 : i32 to vector<16xi32>
        %add3A_264 = arith.addi %add3A_263, %add3A_42 : vector<16xi32>
        %gather3A_265 = tpu.vector_load_idx %arg14[%add3A_264, %broadcast_in_dim3A_261] : memref<8192x4xf32, #tpu.memory_space<vmem>>[vector<16xi32>, vector<16xi32>], vector<16xf32>,
        %add3A_266 = arith.constant 1024 : i32
        %add3A_267 = vector.broadcast %add3A_266 : i32 to vector<16xi32>
        %add3A_268 = arith.addi %add3A_267, %add3A_42 : vector<16xi32>
        %gather3A_269 = tpu.vector_load_idx %arg14[%add3A_268, %broadcast_in_dim3A_261] : memref<8192x4xf32, #tpu.memory_space<vmem>>[vector<16xi32>, vector<16xi32>], vector<16xf32>,
        %add3A_270 = arith.constant 2048 : i32
        %add3A_271 = vector.broadcast %add3A_270 : i32 to vector<16xi32>
        %add3A_272 = arith.addi %add3A_271, %add3A_42 : vector<16xi32>
        %gather3A_273 = tpu.vector_load_idx %arg14[%add3A_272, %broadcast_in_dim3A_261] : memref<8192x4xf32, #tpu.memory_space<vmem>>[vector<16xi32>, vector<16xi32>], vector<16xf32>,
        %add3A_274 = arith.constant 3072 : i32
        %add3A_275 = vector.broadcast %add3A_274 : i32 to vector<16xi32>
        %add3A_276 = arith.addi %add3A_275, %add3A_42 : vector<16xi32>
        %gather3A_277 = tpu.vector_load_idx %arg14[%add3A_276, %broadcast_in_dim3A_261] : memref<8192x4xf32, #tpu.memory_space<vmem>>[vector<16xi32>, vector<16xi32>], vector<16xf32>,
        %add3A_278 = arith.constant 4096 : i32
        %add3A_279 = vector.broadcast %add3A_278 : i32 to vector<16xi32>
        %add3A_280 = arith.addi %add3A_279, %add3A_42 : vector<16xi32>
        %gather3A_281 = tpu.vector_load_idx %arg14[%add3A_280, %broadcast_in_dim3A_261] : memref<8192x4xf32, #tpu.memory_space<vmem>>[vector<16xi32>, vector<16xi32>], vector<16xf32>,
        %add3A_282 = arith.constant 5120 : i32
        %add3A_283 = vector.broadcast %add3A_282 : i32 to vector<16xi32>
        %add3A_284 = arith.addi %add3A_283, %add3A_42 : vector<16xi32>
        %gather3A_285 = tpu.vector_load_idx %arg14[%add3A_284, %broadcast_in_dim3A_261] : memref<8192x4xf32, #tpu.memory_space<vmem>>[vector<16xi32>, vector<16xi32>], vector<16xf32>,
        %add3A_286 = arith.constant 6144 : i32
        %add3A_287 = vector.broadcast %add3A_286 : i32 to vector<16xi32>
        %add3A_288 = arith.addi %add3A_287, %add3A_42 : vector<16xi32>
        %gather3A_289 = tpu.vector_load_idx %arg14[%add3A_288, %broadcast_in_dim3A_261] : memref<8192x4xf32, #tpu.memory_space<vmem>>[vector<16xi32>, vector<16xi32>], vector<16xf32>,
        %add3A_290 = arith.constant 7168 : i32
        %add3A_291 = vector.broadcast %add3A_290 : i32 to vector<16xi32>
        %add3A_292 = arith.addi %add3A_291, %add3A_42 : vector<16xi32>
        %gather3A_293 = tpu.vector_load_idx %arg14[%add3A_292, %broadcast_in_dim3A_261] : memref<8192x4xf32, #tpu.memory_space<vmem>>[vector<16xi32>, vector<16xi32>], vector<16xf32>,
        %sub3A_294 = arith.subf %gather3A_269, %gather3A_265 : vector<16xf32>
        %mul3A_295 = arith.mulf %get3A_40, %sub3A_294 : vector<16xf32>
        %add3A_296 = arith.addf %gather3A_265, %mul3A_295 : vector<16xf32>
        %sub3A_297 = arith.subf %gather3A_277, %gather3A_273 : vector<16xf32>
        %mul3A_298 = arith.mulf %get3A_40, %sub3A_297 : vector<16xf32>
        %add3A_299 = arith.addf %gather3A_273, %mul3A_298 : vector<16xf32>
        %sub3A_300 = arith.subf %gather3A_285, %gather3A_281 : vector<16xf32>
        %mul3A_301 = arith.mulf %get3A_40, %sub3A_300 : vector<16xf32>
        %add3A_302 = arith.addf %gather3A_281, %mul3A_301 : vector<16xf32>
        %sub3A_303 = arith.subf %gather3A_293, %gather3A_289 : vector<16xf32>
        %mul3A_304 = arith.mulf %get3A_40, %sub3A_303 : vector<16xf32>
        %add3A_305 = arith.addf %gather3A_289, %mul3A_304 : vector<16xf32>
        %sub3A_306 = arith.subf %add3A_299, %add3A_296 : vector<16xf32>
        %mul3A_307 = arith.mulf %get3A_38, %sub3A_306 : vector<16xf32>
        %add3A_308 = arith.addf %add3A_296, %mul3A_307 : vector<16xf32>
        %sub3A_309 = arith.subf %add3A_305, %add3A_302 : vector<16xf32>
        %mul3A_310 = arith.mulf %get3A_38, %sub3A_309 : vector<16xf32>
        %add3A_311 = arith.addf %add3A_302, %mul3A_310 : vector<16xf32>
        %shift_right_arithmetic3A_312 = arith.constant 6 : i32
        %shift_right_arithmetic3A_313 = vector.broadcast %shift_right_arithmetic3A_312 : i32 to vector<16xi32>
        %shift_right_arithmetic3A_314 = arith.shrsi %add3A_42, %shift_right_arithmetic3A_313 : vector<16xi32>
        %shift_left3A_315 = arith.constant 9 : i32
        %shift_left3A_316 = vector.broadcast %shift_left3A_315 : i32 to vector<16xi32>
        %shift_left3A_317 = arith.shli %shift_right_arithmetic3A_314, %shift_left3A_316 : vector<16xi32>
        %add3A_318 = arith.constant 384 : i32
        %add3A_319 = vector.broadcast %add3A_318 : i32 to vector<16xi32>
        %add3A_320 = arith.addi %shift_left3A_317, %add3A_319 : vector<16xi32>
        %and3A_321 = arith.constant 63 : i32
        %and3A_322 = vector.broadcast %and3A_321 : i32 to vector<16xi32>
        %and3A_323 = arith.andi %add3A_42, %and3A_322 : vector<16xi32>
        %add3A_324 = arith.addi %add3A_320, %and3A_323 : vector<16xi32>
        %shift_right_arithmetic3A_325 = arith.constant 9 : i32
        %shift_right_arithmetic3A_326 = vector.broadcast %shift_right_arithmetic3A_325 : i32 to vector<16xi32>
        %shift_right_arithmetic3A_327 = arith.shrsi %add3A_324, %shift_right_arithmetic3A_326 : vector<16xi32>
        %and3A_328 = arith.constant 511 : i32
        %and3A_329 = vector.broadcast %and3A_328 : i32 to vector<16xi32>
        %and3A_330 = arith.andi %add3A_324, %and3A_329 : vector<16xi32>
        %sub3A_331 = arith.subf %add3A_311, %add3A_308 : vector<16xf32>
        %mul3A_332 = arith.mulf %get3A_36, %sub3A_331 : vector<16xf32>
        %add3A_333 = arith.addf %add3A_308, %mul3A_332 : vector<16xf32>
        tpu.vector_store_idx %arg15[%shift_right_arithmetic3A_327, %and3A_330], %add3A_333 : memref<16x512xf32, #tpu.memory_space<vmem>>[vector<16xi32>, vector<16xi32>], vector<16xf32>,
      }
      %scan3A_29 = arith.constant 64 : i32
      %shift_right_arithmetic3A = arith.constant 6 : i32
      %shift_right_arithmetic3A_30 = arith.shrsi %add3A_14, %shift_right_arithmetic3A : i32
      "tpu.region"() ({
        %run_scoped3A = tpu.sem_alloc : memref<!tpu.dma_semaphore, #tpu.memory_space<semaphore_mem>>
        %dma_start3A = arith.constant 0 : i32
        %dma_start3A_31 = tpu.memref_slice %arg6[%shift_right_arithmetic3A_30, %dma_start3A] : memref<8192x512xf32, #tpu.memory_space<hbm>> -> memref<16x512xf32, #tpu.memory_space<hbm>>
        %dma_start3A_32 = arith.constant 0 : i32
        %dma_start3A_33 = tpu.memref_slice %arg6[%shift_right_arithmetic3A_30, %dma_start3A_32] : memref<8192x512xf32, #tpu.memory_space<hbm>> -> memref<16x512xf32, #tpu.memory_space<hbm>>
        tpu.enqueue_dma source(%arg15 : memref<16x512xf32, #tpu.memory_space<vmem>>) target(%dma_start3A_33 : memref<16x512xf32, #tpu.memory_space<hbm>>) target_semaphore(%run_scoped3A : memref<!tpu.dma_semaphore, #tpu.memory_space<semaphore_mem>>)
        %dma_wait3A = arith.constant 0 : i32
        %dma_wait3A_34 = tpu.memref_slice %arg6[%shift_right_arithmetic3A_30, %dma_wait3A] : memref<8192x512xf32, #tpu.memory_space<hbm>> -> memref<16x512xf32, #tpu.memory_space<hbm>>
        %dma_wait3A_35 = arith.constant 0 : i32
        %dma_wait3A_36 = tpu.memref_slice %arg6[%shift_right_arithmetic3A_30, %dma_wait3A_35] : memref<8192x512xf32, #tpu.memory_space<hbm>> -> memref<16x512xf32, #tpu.memory_space<hbm>>
        tpu.wait_dma2 semaphore(%run_scoped3A : memref<!tpu.dma_semaphore, #tpu.memory_space<semaphore_mem>>) src(%arg15 : memref<16x512xf32, #tpu.memory_space<vmem>>) dst(%dma_wait3A_36 : memref<16x512xf32, #tpu.memory_space<hbm>>)
        tpu.yield
      }) : () -> ()
    }
    %scan3A_6 = arith.constant 16 : i32
    return
  }
}

</mosaic_0001>

<sc_bundles>
// kernel: kernel.3.cloned.1.call-start
scs
__scs_entry_jumppad:
0x0: {  	(pc) =	sbr.rel $0x88, $3  }
0x1: {  	(tag) =	ssettag $0x0;
	lr =	simm.s32 $0x1  }
0x2: {  	[smem:$0x3F9F] =	sst lr;
	_ =	strace $0xD0000000  }
0x3: {  	_ = 	snop  }
0x4: {  	_ = 	snop  }
0x5: {  	_ = 	snop  }
0x6: {  	_ = 	snop  }
0x7: {  	_ = 	snop  }
__scs_overlays_trampoline_lowered:
0x8: {  	[smem:$0x3FAE] =	sst s0  }
0x9: {  	[smem:$0x3FAF] =	sst s1  }
0xa: {  	[smem:$0x3FB0] =	sst s2  }
0xb: {  	[smem:$0x3FB1] =	sst s3  }
0xc: {  	[smem:$0x3FB2] =	sst s4  }
0xd: {  	[smem:$0x3FB3] =	sst s5  }
0xe: {  	[smem:$0x3FB4] =	sst s6  }
0xf: {  	[smem:$0x3FB5] =	sst s7  }
0x10: {  	[smem:$0x3FB6] =	sst s8  }
0x11: {  	[smem:$0x3FB7] =	sst s9;
	s0 =	simm.s32 @!p0 $0x0  }
0x12: {  	s1 =	sld [smem:$0x3F9D];
	s0 =	simm.s32 @p0 $0x1  }
0x13: {  	[smem:$0x3FB8] =	sst s0;
	s0 =	simm.s32 @!p1 $0x0  }
0x14: {  	s2 =	sld [smem:$0x3F9C];
	s0 =	simm.s32 @p1 $0x1  }
0x15: {  	[smem:$0x3FB9] =	sst s0;
	s0 =	simm.s32 @!p2 $0x0  }
0x16: {  	s3 =	sld [smem:$0x3FDB];
	s0 =	simm.s32 @p2 $0x1  }
0x17: {  	s4 =	simm.s32 $0x1BF5;
	[smem:$0x3FBB] =	sst s0  }
0x18: {  	s0 =	sld [smem:$0x3F9E];
	_ =	swait.ge [sflag:s4], $0x0  }
0x19: {  	s7 =	sld [smem:$0x3F9F]  }
0x1a: {  	s8 =	sadd.s32 $0xFFFFE003, lr  }
0x1b: {  	s9 =	sadd.s32 $0xFFFFFEF7, lr;
	s5 =	simm.s32 $0xFFFFFFFF;
	p2 =	slt.u32 s8, $0xFFFFF086  }
0x1c: {  	p1 =	slt.u32 s9, $0xF7A;
	s5 =	simm.s32 @!p2 $0x0  }
0x1d: {  	s5 =	simm.s32 @p1 $0x1;
	p0 =	seq.s32 s7, s2  }
0x1e: {  	s7 =	smul.u32 @!p0 $0xF7A, s2;
	p2 =	seq.s32 @!p0 s5, $0x0  }
0x1f: {  	s9 =	smul.u32 $0xF7A, s1;
	s8 =	simm.s32 @!p0 $0x1BF5;
	p2 =	por !p2, p0  }
0x20: {  	[sflag:s8] =	ssyncset.s32 @!p0 $0xFFFFF086;
	s6 =	sadd.s32 @!p0 s3, s7;
	s7 =	simm.s32 @!p0 $0x108  }
0x21: {  	s3 =	sadd.s32 s3, s9;
	s6 =	sadd.s32 @!p0 $0x88, s6;
	s7 =	simm.s32 @p2 $0x1082  }
0x22: {  	[simem:s7], [sflag:s8] =	dma.local @!p0 [hbm:s6], $0xF7A  }
0x23: {  	s9 =	sor.u32 $0xD0000000, s2;
	s6 =	simm.s32 $0x108;
	_ =	swait.ge @!p0 [sflag:s8], $0x0  }
0x24: {  	s3 =	sadd.s32 $0x88, s3;
	s6 =	simm.s32 @!p1 $0x1082;
	[sflag:s4] =	ssyncset.s32 $0xFFFFF086  }
0x25: {  	[simem:s6], [sflag:s4] =	dma.local [hbm:s3], $0xF7A  }
0x26: {  	[smem:$0x3F9F] =	sst s1;
	(tag) =	ssettag s2;
	_ =	strace s9  }
0x27: {  	s1 =	sld [smem:$0x3FAF]  }
0x28: {  	s2 =	sld [smem:$0x3FB0]  }
0x29: {  	s4 =	sld [smem:$0x3FB2]  }
0x2a: {  	p0 =	seq.s32 s5, $0x0;
	s5 =	sld [smem:$0x3FB3]  }
0x2b: {  	s6 =	sld [smem:$0x3FB4]  }
0x2c: {  	s7 =	sld [smem:$0x3FB5]  }
0x2d: {  	s3 =	simm.s32 $0x108;
	s8 =	sld [smem:$0x3FB6]  }
0x2e: {  	s3 =	simm.s32 @!p0 $0x1082;
	s9 =	sld [smem:$0x3FB7]  }
0x2f: {  	lr =	sadd.s32 s0, s3;
	s0 =	sld [smem:$0x3FAE]  }
0x30: {  	s3 =	sld [smem:$0x3FB1]  }
0x31: {  	[smem:$0x3FBA] =	sst s10  }
0x32: {  	s10 =	sld [smem:$0x3FB8];
	_ =	sdelay $0x3  }
0x33: {  	p0 =	seq.s32 s10, $0x1;
	s10 =	sld [smem:$0x3FBA];
	_ =	sdelay $0x3  }
0x34: {  	[smem:$0x3FBA] =	sst s10  }
0x35: {  	s10 =	sld [smem:$0x3FB9];
	_ =	sdelay $0x3  }
0x36: {  	p1 =	seq.s32 s10, $0x1;
	s10 =	sld [smem:$0x3FBA];
	_ =	sdelay $0x3  }
0x37: {  	[smem:$0x3FBA] =	sst s10  }
0x38: {  	s10 =	sld [smem:$0x3FBB]  }
0x39: {  	_ = 	snop;
	(pc) =	sbr.ind lr, $3  }
0x3a: {  	_ = 	snop  }
0x3b: {  	_ = 	snop  }
0x3c: {  	p2 =	seq.s32 s10, $0x1;
	s10 =	sld [smem:$0x3FBA]  }
0x3d: {  	_ =	shalt  }
0x3e: {  	_ =	shalt  }
0x3f: {  	_ =	shalt  }
0x40: {  	_ =	shalt  }
0x41: {  	_ =	shalt  }
0x42: {  	_ =	shalt  }
0x43: {  	_ =	shalt  }
0x44: {  	_ =	shalt  }
0x45: {  	_ =	shalt  }
0x46: {  	_ =	shalt  }
0x47: {  	_ =	shalt  }
0x48: {  	_ =	shalt  }
0x49: {  	_ =	shalt  }
0x4a: {  	_ =	shalt  }
0x4b: {  	_ =	shalt  }
0x4c: {  	_ =	shalt  }
0x4d: {  	_ =	shalt  }
0x4e: {  	_ =	shalt  }
0x4f: {  	_ =	shalt  }
0x50: {  	_ =	shalt  }
0x51: {  	_ =	shalt  }
0x52: {  	_ =	shalt  }
0x53: {  	_ =	shalt  }
0x54: {  	_ =	shalt  }
0x55: {  	_ =	shalt  }
0x56: {  	_ =	shalt  }
0x57: {  	_ =	shalt  }
0x58: {  	_ =	shalt  }
0x59: {  	_ =	shalt  }
0x5a: {  	_ =	shalt  }
0x5b: {  	_ =	shalt  }
0x5c: {  	_ =	shalt  }
0x5d: {  	_ =	shalt  }
0x5e: {  	_ =	shalt  }
0x5f: {  	_ =	shalt  }
0x60: {  	_ =	shalt  }
0x61: {  	_ =	shalt  }
0x62: {  	_ =	shalt  }
0x63: {  	_ =	shalt  }
0x64: {  	_ =	shalt  }
0x65: {  	_ =	shalt  }
0x66: {  	_ =	shalt  }
0x67: {  	_ =	shalt  }
0x68: {  	_ =	shalt  }
0x69: {  	_ =	shalt  }
0x6a: {  	_ =	shalt  }
0x6b: {  	_ =	shalt  }
0x6c: {  	_ =	shalt  }
0x6d: {  	_ =	shalt  }
0x6e: {  	_ =	shalt  }
0x6f: {  	_ =	shalt  }
0x70: {  	_ =	shalt  }
0x71: {  	_ =	shalt  }
0x72: {  	_ =	shalt  }
0x73: {  	_ =	shalt  }
0x74: {  	_ =	shalt  }
0x75: {  	_ =	shalt  }
0x76: {  	_ =	shalt  }
0x77: {  	_ =	shalt  }
0x78: {  	_ =	shalt  }
0x79: {  	_ =	shalt  }
0x7a: {  	_ =	shalt  }
0x7b: {  	_ =	shalt  }
0x7c: {  	_ =	shalt  }
0x7d: {  	_ =	shalt  }
0x7e: {  	_ =	shalt  }
0x7f: {  	_ =	shalt  }
0x80: {  	_ =	shalt  }
0x81: {  	_ =	shalt  }
0x82: {  	_ =	shalt  }
0x83: {  	_ =	shalt  }
0x84: {  	_ =	shalt  }
0x85: {  	_ =	shalt  }
0x86: {  	_ =	shalt  }
0x87: {  	_ =	shalt  }
.Lfunc_end0:
.L_simem_size_0:
called_computation_lowered:
.L_overlay_start_0:
0x88: {  	s2 =	sld [smem:$0x3FD9]  }
0x89: {  	s3 =	sld [smem:$0x3FFE];
	_ =	sdelay $0x1  }
0x8a: {  	s1 =	srdreg.scid  }
0x8b: {  	s0 =	sand.u32 $0x1, s1  }
0x8c: {  	s17 =	sshll.u32 s0, $0xA;
	s2 =	sadd.s32 s3, s2  }
0x8d: {  	s2 =	sadd.s32 s2, s17  }
0x8e: {  	[smem:$0x3FC6] =	sst s2  }
0x8f: {  	_ = 	snop  }
0x90: {  	s2 =	sld [smem:$0x3FD0];
	(tm) =	ssettm $0x1  }
0x91: {  	s18 =	sld [smem:$0x3FFB];
	_ =	sdelay $0x3  }
0x92: {  	_ =	strace s18  }
0x93: {  	s3 =	sld [smem:$0x3FFC];
	_ =	sdelay $0x3  }
0x94: {  	_ =	strace s3  }
0x95: {  	s3 =	sld [smem:$0x3FFD];
	_ =	sdelay $0x3  }
0x96: {  	_ =	strace s3  }
0x97: {  	_ =	strace $0x8FFFFFFF  }
0x98: {  	s19 =	sld [smem:$0x3FDB];
	_ =	sdelay $0x1  }
0x99: {  	s4 =	simm.s32 $_scs_section_size  }
0x9a: {  	s5 =	simm.s32 $_size__tile_overlayer_lowered;
	s6 =	simm.s32 $_tile_overlayer_lowered  }
0x9b: {  	s22 =	simm.s32 $0x1BFF;
	s21 =	sshll.u32 s6, $0x1;
	s3 =	sadd.s32 s4, s19  }
0x9c: {  	s7 =	simm.s32 $0x0;
	s20 =	sshll.u32 s5, $0x1;
	s5 =	sadd.s32 s21, s3  }
0x9d: {  	[timem:s7], [sflag:s22] =	dma.local [hbm:s5], s20  }
0x9e: {  	_ =	swait.ge [sflag:s22], s20  }
0x9f: {  	s4 =	ssub.s32 $0x0, s20;
	[sflag:s22] =	ssyncset.done $0x0  }
0xa0: {  	[sflag:s22] =	ssyncadd.s32 s4;
	_ =	sdelay $0x1  }
0xa1: {  	s23 =	simm.s32 $0x1B8B  }
0xa2: {  	_ =	swait.ge [sflag:s23], $0x1  }
0xa3: {  	[sflag:s23] =	ssyncset.done $0x0  }
0xa4: {  	s25 =	simm.s32 $0x1B8E;
	s24 =	sld [smem:$0x3FFE];
	[sflag:s23] =	ssyncadd.s32 $0xFFFFFFFF  }
0xa5: {  	s26 =	simm.s32 $execute0_lowered;
	[smem:$0x3FD2] =	sst s25  }
0xa6: {  	s5 =	sshll.u32 s26, $0x1;
	_ =	strace $0x80000046;
	[dreg:$0x1] =	wrdreg $0xFFFFFFFF  }
0xa7: {  	s28 =	simm.s32 $_size_execute0_lowered;
	s3 =	sadd.s32 s3, s5;
	[dreg:$0x0] =	wrdreg $0x0  }
0xa8: {  	s5 =	sshll.u32 s28, $0x1;
	[dreg:$0x2] =	wrdreg s3  }
0xa9: {  	[dreg:$0x3] =	wrdreg s5  }
0xaa: {  	[dreg:$0x4] =	wrdreg $0xC0  }
0xab: {  	_ =	task [dreg:s7], $0x5FFFF  }
0xac: {  	[dreg:$0x1] =	wrdreg $0xFFFFFFFF  }
0xad: {  	[dreg:$0x0] =	wrdreg $0x60  }
0xae: {  	[dreg:$0x2] =	wrdreg s24  }
0xaf: {  	[dreg:$0x3] =	wrdreg s2  }
0xb0: {  	[dreg:$0x4] =	wrdreg $0x9  }
0xb1: {  	_ =	task.clear_ibuf [dreg:s7], $0x5FFFF;
	_ =	strace $0x90000046  }
0xb2: {  	s29 =	simm.s32 $0x9;
	_ =	strace $0x80000048  }
0xb3: {  	_ =	swait.ge [sflag:s29], $0x1  }
0xb4: {  	[sflag:s29] =	ssyncadd.s32 $0xFFFFFFFF  }
0xb5: {  	_ =	strace $0x90000048  }
0xb6: {  	_ =	sfence  }
0xb7: {  	s30 =	sld [smem:$0x0];
	_ =	sdelay $0x2  }
0xb8: {  	s31 =	sshll.u32 s1, $0xD;
	s1 =	sshrl.u32 s1, $0x2  }
0xb9: {  	s3 =	sand.u32 $0x4000, s31;
	s1 =	sadd.s32 s1, s30  }
0xba: {  	s0 =	sor.u32 s3, s0;
	s1 =	sshll.u32 s1, $0x11  }
0xbb: {  	s0 =	sor.u32 s1, s0  }
0xbc: {  	s0 =	sadd.s32 $0x8F2B, s0  }
0xbd: {  	[sflag:s0] =	ssyncadd.remote.s32 $0x1  }
0xbe: {  	_ =	sfence.sel $0xFFFF  }
0xbf: {  	[dreg:$0x0] =	wrdreg $0xFFFFFFFF;
	(pc) =	sbr.abs _section_cstart, $3  }
0xc0: {  	[dreg:$0x1] =	wrdreg $0xFFFFFFFF  }
0xc1: {  	_ =	task.clear_ibuf [dreg:s7], $0x2FFFF;
	_ =	strace $0x9FFFFFFF  }
0xc2: {  	(tm) =	ssettm $0x7FFFFFFF  }
0xc3: {  	_ =	shalt  }
tec
execute0_lowered:
.L_overlay_start_1:
0x0: {  	(tag) =	ssettag $0x1  }
0x1: {  	s7 =	rddreg [dreg:$0x0]  }
0x2: {  	s1 =	rddreg [dreg:$0x1]  }
0x3: {  	s0 =	rddreg [dreg:$0x2];
	s2 =	simm.s32 $0x0  }
0x4: {  	s4 =	srdreg.scid;
	s12 =	simm.s32 $0x800;
	s13 =	simm.s32 $0x80  }
0x5: {  	s14 =	simm.s32 $0x1;
	s15 =	simm.s32 $0x3800;
	s16 =	simm.s32 $0x13800  }
0x6: {  	v0 =	vlaneseq.u32;
	s17 =	simm.s32 $0x0;
	[smem:$0x7FF] =	sst s2;
	s3 =	sadd.s32 $0x600, s7  }
0x7: {  	s5 =	sadd.s32 $0x420600, s7;
	s8 =	sand.u32 $0x1, s4;
	s6 =	sadd.s32 $0x410600, s7;
	v7 =	vmul.u32 $0x8, v0;
	v11 =	vand.u32 $0x7, v0  }
0x8: {  	s4 =	stileid.u32;
	s7 =	sadd.s32 $0x400600, s7;
	s9 =	ssub.s32 $0x2, s8;
	v8 =	vor.u32 $0x38, v11;
	v9 =	vor.u32 $0x80, v11  }
0x9: {  	s11 =	sshll.u32 s4, $0xF;
	s8 =	sshll.u32 s8, $0xE;
	v10 =	vor.u32 $0x100, v11;
	v11 =	vor.u32 $0x180, v11;
	s10 =	sshrl.u32 s9, $0x1;
	v1 =	vor.u32 $0xE000, v7  }
0xa: {  	_ =	strace $0x80000047;
	s8 =	sor.u32 s8, s11;
	v2 =	vor.u32 $0xC000, v7;
	v3 =	vor.u32 $0xA000, v7;
	v4 =	vor.u32 $0x8000, v7;
	s9 =	ssub.s32 s9, s10  }
0xb: {  	s11 =	simm.s32 $0x400;
	v5 =	vor.u32 $0x6000, v7;
	v6 =	vor.u32 $0x4000, v7;
	v7 =	vor.u32 $0x2000, v7;
	s10 =	simm.s32 $0x2;
	s9 =	smax.u32 s9, $0x1  }
.LBB2_1:
0xc: {  	s18 =	smov.u32 s8;
	s19 =	simm.s32 $0x0  }
.LBB2_2:
0xd: {  	s20 =	sshll.u32 s19, $0xA  }
0xe: {  	s20 =	sadd.s32 s8, s20  }
0xf: {  	s21 =	sshrl.u32 s20, $0x3  }
0x10: {  	s23 =	simm.s32 $0x0;
	s22 =	sadd.s32 s5, s21  }
0x11: {  	[tilespmem:s23], [sflag:$0x2] =	stream.linear.gather [hbm4b:s22+s23], $0x400, $0x38;
	[tilespmem:$0x15800] =	vst v63  }
0x12: {  	_ =	swait.ge [sflag:s10], $0x400  }
0x13: {  	[sflag:s10] =	ssyncset.done $0x0  }
0x14: {  	s31 =	sadd.s32 s6, s21;
	[sflag:s10] =	ssyncadd.s32 $0xFFFFFC00  }
0x15: {  	[tilespmem:s11], [sflag:$0x2] =	stream.linear.gather [hbm4b:s31+s23], $0x400, $0x38;
	[tilespmem:$0x15800] =	vst v63  }
0x16: {  	_ =	swait.ge [sflag:s10], $0x400  }
0x17: {  	[sflag:s10] =	ssyncset.done $0x0  }
0x18: {  	s21 =	sadd.s32 s7, s21;
	[sflag:s10] =	ssyncadd.s32 $0xFFFFFC00  }
0x19: {  	[tilespmem:s12], [sflag:$0x2] =	stream.linear.gather [hbm4b:s21+s23], $0x400, $0x38;
	[tilespmem:$0x15800] =	vst v63  }
0x1a: {  	_ =	swait.ge [sflag:s10], $0x400  }
0x1b: {  	[sflag:s10] =	ssyncset.done $0x0  }
0x1c: {  	s21 =	simm.s32 $0x0;
	[sflag:s10] =	ssyncadd.s32 $0xFFFFFC00  }
0x1d: {  	v14 =	vld [tilespmem:s21+$0x800]  }
0x1e: {  	v17 =	vld [tilespmem:s21+$0x0]  }
0x1f: {  	v12 =	vld [tilespmem:s21+$0x400];
	_ =	sdelay $0x2  }
0x20: {  	v13 =	vtrunc.f32 v14  }
0x21: {  	v15 =	vtrunc.f32 v17;
	v13 =	vcvt.f32.s32 v13  }
0x22: {  	v16 =	vmov s18;
	v18 =	vtrunc.f32 v12;
	v15 =	vcvt.f32.s32 v15  }
0x23: {  	v16 =	vshrl.u32 v16, $0x12;
	v18 =	vcvt.f32.s32 v18;
	vm0 =	vgt.s32 v13, $0x0  }
0x24: {  	v16 =	vshll.u32 v16, $0x15;
	vm1 =	vgt.s32 v15, $0x0;
	v13 =	vnsel vm0, $0x0, v13  }
0x25: {  	vm15 =	vgt.s32 v18, $0x0;
	v15 =	vnsel vm1, $0x0, v15;
	v13 =	vmin.u32 v13, $0x7E  }
0x26: {  	v18 =	vnsel vm15, $0x0, v18;
	v15 =	vmin.u32 v15, $0x7E;
	v19 =	vcvt.s32.f32 v13  }
0x27: {  	v20 =	vbroadcast v16, $0x0;
	v18 =	vmin.u32 v18, $0x7E;
	v21 =	vcvt.s32.f32 v15  }
0x28: {  	v22 =	vshll.u32 v15, $0xE;
	v15 =	vcvt.s32.f32 v18;
	v16 =	vsub.f32 v14, v19  }
0x29: {  	s24 =	simm.s32 $0x80;
	s22 =	simm.s32 $0x10;
	s23 =	smov.u32 s18;
	v18 =	vshll.u32 v18, $0x7;
	v14 =	vor.u32 v20, v22;
	v17 =	vsub.f32 v17, v21  }
.LBB2_3:
0x2a: {  	p0 =	sne.s32 s24, $0xFC0;
	v19 =	vld [tilespmem:s22+$0x800];
	v15 =	vsub.f32 v12, v15;
	v12 =	vmax.f32 v16, $0.0e+00;
	v14 =	vor.u32 v18, v14  }
0x2b: {  	v18 =	vld [tilespmem:s22+$0x0];
	v16 =	vmax.f32 v17, $0.0e+00;
	v17 =	vmin.f32 v12, $1.000000000e+00;
	v14 =	vor.u32 v13, v14  }
0x2c: {  	v12 =	vld [tilespmem:s22+$0x400];
	v13 =	vmin.f32 v16, $1.000000000e+00;
	v15 =	vmax.f32 v15, $0.0e+00;
	[tilespmem:s21+$0x1400] =	vst v17;
	v16 =	vadd.s32 $0x1, v14  }
0x2d: {  	v17 =	vadd.s32 $0x81, v14;
	[tilespmem:s21+$0xC00] =	vst v13;
	v13 =	vmin.f32 v15, $1.000000000e+00;
	v15 =	vadd.s32 $0x80, v14  }
0x2e: {  	v20 =	vadd.s32 $0x4001, v14;
	v21 =	vadd.s32 $0x4080, v14;
	[tilespmem:s21+$0x1000] =	vst v13;
	v13 =	vadd.s32 $0x4000, v14  }
0x2f: {  	s23 =	sadd.s32 $0x10, s23;
	v22 =	vtrunc.f32 v19;
	[tilespmem:s21+$0x1C00] =	vst v16;
	v16 =	vadd.s32 $0x4081, v14  }
0x30: {  	v24 =	vmov s23;
	v23 =	vtrunc.f32 v18;
	v22 =	vcvt.f32.s32 v22;
	[tilespmem:s21+$0x2000] =	vst v15  }
0x31: {  	v24 =	vshrl.u32 v24, $0x12;
	v15 =	vcvt.f32.s32 v23;
	v23 =	vtrunc.f32 v12;
	[tilespmem:s21+$0x2400] =	vst v17  }
0x32: {  	v17 =	vcvt.f32.s32 v23;
	vm0 =	vgt.s32 v22, $0x0;
	v23 =	vshll.u32 v24, $0x15;
	[tilespmem:s21+$0x2800] =	vst v13  }
0x33: {  	vm1 =	vgt.s32 v15, $0x0;
	v13 =	vnsel vm0, $0x0, v22;
	v22 =	vbroadcast v23, $0x0;
	[tilespmem:s21+$0x2C00] =	vst v20  }
.Ltmp0:
0x34: {  	v15 =	vnsel vm1, $0x0, v15;
	vm0 =	vgt.s32 v17, $0x0;
	v13 =	vmin.u32 v13, $0x7E;
	[tilespmem:s21+$0x3000] =	vst v21;
	(pc) =	sbr.rel @p0 .LBB2_3-.Ltmp0, $4  }
0x35: {  	v15 =	vmin.u32 v15, $0x7E;
	v17 =	vnsel vm0, $0x0, v17;
	v20 =	vcvt.s32.f32 v13;
	[tilespmem:s21+$0x3400] =	vst v16  }
0x36: {  	v21 =	vmin.u32 v17, $0x7E;
	v17 =	vcvt.s32.f32 v15;
	v23 =	vshll.u32 v15, $0xE;
	[tilespmem:s21+$0x1800] =	vst v14;
	s21 =	smov.u32 s22  }
0x37: {  	v15 =	vcvt.s32.f32 v21;
	v16 =	vsub.f32 v19, v20;
	v14 =	vor.u32 v22, v23  }
0x38: {  	s22 =	sshra.s32 s24, $0x2;
	s24 =	sadd.s32 $0x40, s24;
	v17 =	vsub.f32 v18, v17;
	v18 =	vshll.u32 v21, $0x7  }
0x39: {  	v37 =	vld [tilespmem:s22+$0x0]  }
0x3a: {  	v12 =	vsub.f32 v12, v15;
	v36 =	vmax.f32 v16, $0.0e+00;
	v14 =	vor.u32 v18, v14;
	v38 =	vld [tilespmem:s22+$0x400]  }
0x3b: {  	s23 =	sadd.s32 $0x10, s23;
	v17 =	vmax.f32 v17, $0.0e+00;
	v15 =	vmin.f32 v36, $1.000000000e+00;
	v13 =	vor.u32 v13, v14  }
0x3c: {  	v19 =	vld [tilespmem:s22+$0x800];
	v43 =	vmov s23;
	v39 =	vmin.f32 v17, $1.000000000e+00;
	v12 =	vmax.f32 v12, $0.0e+00  }
0x3d: {  	v40 =	vadd.s32 $0x1, v13;
	v20 =	vadd.s32 $0x80, v13;
	v21 =	vadd.s32 $0x81, v13;
	[tilespmem:s21+$0x1400] =	vst v15  }
0x3e: {  	v22 =	vadd.s32 $0x4000, v13;
	v41 =	vadd.s32 $0x4001, v13;
	[tilespmem:s21+$0x1800] =	vst v13;
	v24 =	vtrunc.f32 v37  }
0x3f: {  	v12 =	vmin.f32 v12, $1.000000000e+00;
	[tilespmem:s21+$0xC00] =	vst v39;
	v25 =	vtrunc.f32 v38;
	v24 =	vcvt.f32.s32 v24  }
0x40: {  	v42 =	vadd.s32 $0x4080, v13;
	[tilespmem:s21+$0x1000] =	vst v12;
	v12 =	vshrl.u32 v43, $0x12;
	v25 =	vcvt.f32.s32 v25  }
0x41: {  	[tilespmem:s21+$0x1C00] =	vst v40;
	v23 =	vtrunc.f32 v19;
	v12 =	vshll.u32 v12, $0x15;
	vm14 =	vgt.s32 v24, $0x0  }
0x42: {  	[tilespmem:s21+$0x2000] =	vst v20;
	v23 =	vcvt.f32.s32 v23;
	vm15 =	vgt.s32 v25, $0x0;
	v45 =	vnsel vm14, $0x0, v24  }
0x43: {  	[tilespmem:s21+$0x2400] =	vst v21;
	v12 =	vbroadcast v12, $0x0;
	v46 =	vnsel vm15, $0x0, v25;
	v20 =	vmin.u32 v45, $0x7E  }
0x44: {  	[tilespmem:s21+$0x2800] =	vst v22;
	vm0 =	vgt.s32 v23, $0x0;
	v21 =	vmin.u32 v46, $0x7E;
	v51 =	vshll.u32 v20, $0xE  }
0x45: {  	[tilespmem:s21+$0x2C00] =	vst v41;
	v44 =	vnsel vm0, $0x0, v23;
	v54 =	vshll.u32 v21, $0x7;
	v12 =	vor.u32 v12, v51  }
0x46: {  	v50 =	vadd.s32 $0x4081, v13;
	[tilespmem:s21+$0x3000] =	vst v42;
	v17 =	vmin.u32 v44, $0x7E;
	v12 =	vor.u32 v54, v12  }
0x47: {  	[tilespmem:s21+$0x3400] =	vst v50;
	v12 =	vor.u32 v17, v12  }
0x48: {  	v57 =	vadd.s32 $0x1, v12;
	[tilespmem:s22+$0x1800] =	vst v12  }
0x49: {  	v58 =	vadd.s32 $0x80, v12;
	[tilespmem:s22+$0x1C00] =	vst v57  }
0x4a: {  	v47 =	vcvt.s32.f32 v17;
	v59 =	vadd.s32 $0x81, v12;
	[tilespmem:s22+$0x2000] =	vst v58  }
0x4b: {  	v48 =	vcvt.s32.f32 v20;
	v60 =	vadd.s32 $0x4000, v12;
	[tilespmem:s22+$0x2400] =	vst v59  }
0x4c: {  	v49 =	vcvt.s32.f32 v21;
	v19 =	vsub.f32 v19, v47;
	v61 =	vadd.s32 $0x4001, v12;
	[tilespmem:s22+$0x2800] =	vst v60  }
0x4d: {  	v16 =	vsub.f32 v37, v48;
	v62 =	vadd.s32 $0x4080, v12;
	[tilespmem:s22+$0x2C00] =	vst v61  }
0x4e: {  	v52 =	vsub.f32 v38, v49;
	v53 =	vmax.f32 v19, $0.0e+00;
	v63 =	vadd.s32 $0x4081, v12;
	[tilespmem:s22+$0x3000] =	vst v62  }
0x4f: {  	v16 =	vmax.f32 v16, $0.0e+00;
	v15 =	vmin.f32 v53, $1.000000000e+00;
	[tilespmem:s22+$0x3400] =	vst v63  }
0x50: {  	v14 =	vmax.f32 v52, $0.0e+00;
	v55 =	vmin.f32 v16, $1.000000000e+00;
	[tilespmem:s22+$0x1400] =	vst v15  }
0x51: {  	v56 =	vmin.f32 v14, $1.000000000e+00;
	[tilespmem:s22+$0xC00] =	vst v55  }
0x52: {  	s31 =	simm.s32 $0x1800;
	s21 =	simm.s32 $0x3800;
	[tilespmem:s22+$0x1000] =	vst v56  }
0x53: {  	[tilespmem:s21], [sflag:$0x1] =	stream.indirect.gather [hbm4b:s3+s13], $0x4, s31, s13, $0xb8;
	[tilespmem:$0x15800] =	vst v63  }
0x54: {  	s22 =	simm.s32 $0x200;
	_ =	swait.ge [sflag:s14], $0x200  }
.LBB2_5:
0x55: {  	s23 =	sshra.s32 s22, $0x2  }
0x56: {  	[sflag:s14] =	ssyncset.done $0x0;
	s21 =	sadd.s32 $0x400, s21;
	p0 =	sne.s32 s22, $0x7E00  }
.Ltmp1:
0x57: {  	s23 =	sadd.s32 $0x1800, s23;
	[sflag:s14] =	ssyncadd.s32 $0xFFFFFE00;
	(pc) =	sbr.rel @p0 .LBB2_5-.Ltmp1, $3  }
0x58: {  	[tilespmem:s21], [sflag:$0x1] =	stream.indirect.gather [hbm4b:s3+s13], $0x4, s23, s13, $0xb8;
	[tilespmem:$0x15800] =	vst v63  }
0x59: {  	s22 =	sadd.s32 $0x200, s22;
	_ =	sdelay $0x1  }
0x5a: {  	_ =	swait.ge [sflag:s14], $0x200  }
0x5b: {  	s21 =	simm.s32 $0x0  }
0x5c: {  	v12 =	vmov s21;
	v20 =	vor.u32 s21, v0  }
0x5d: {  	v17 =	vshll.u32 v20, $0x3;
	v15 =	vshll.u32 v12, $0x3  }
0x5e: {  	v21 =	vor.u32 v1, v15  }
0x5f: {  	v16 =	vor.u32 v6, v15  }
0x60: {  	[sflag:s14] =	ssyncset.done $0x0;
	v18 =	vor.u32 v7, v15  }
0x61: {  	[sflag:s14] =	ssyncadd.s32 $0xFFFFFE00;
	v22 =	vor.u32 v3, v15  }
0x62: {  	v23 =	vor.u32 v2, v15;
	v14 =	vld.idx.msk [tilespmem:v17+s15+$0x0], $0xffff  }
0x63: {  	v19 =	vor.u32 v4, v15;
	v13 =	vld.idx.msk [tilespmem:v21+s15+$0x0], $0xffff  }
0x64: {  	v24 =	vor.u32 v5, v15;
	v25 =	vld.idx.msk [tilespmem:v16+s15+$0x0], $0xffff  }
0x65: {  	v26 =	vld.idx.msk [tilespmem:v18+s15+$0x0], $0xffff  }
0x66: {  	v27 =	vld.idx.msk [tilespmem:v22+s15+$0x0], $0xffff  }
0x67: {  	v28 =	vld.idx.msk [tilespmem:v23+s15+$0x0], $0xffff  }
0x68: {  	v29 =	vld.idx.msk [tilespmem:v19+s15+$0x0], $0xffff  }
0x69: {  	s21 =	simm.s32 $0x1400;
	v30 =	vld.idx.msk [tilespmem:v24+s15+$0x0], $0xffff  }
0x6a: {  	v12 =	vld [tilespmem:s21+$0x0];
	_ =	sdelay $0x2  }
0x6b: {  	v13 =	vsub.f32 v13, v28;
	v27 =	vsub.f32 v27, v29  }
0x6c: {  	v26 =	vsub.f32 v26, v14;
	v30 =	vsub.f32 v30, v25  }
0x6d: {  	v31 =	vmul.f32 v13, v12;
	v27 =	vmul.f32 v27, v12  }
0x6e: {  	s22 =	simm.s32 $0x1000;
	v26 =	vmul.f32 v26, v12;
	v30 =	vmul.f32 v30, v12  }
0x6f: {  	v13 =	vld [tilespmem:s22+$0x0];
	v28 =	vadd.f32 v31, v28;
	v27 =	vadd.f32 v27, v29  }
0x70: {  	v26 =	vadd.f32 v26, v14;
	v14 =	vadd.f32 v30, v25;
	_ =	sdelay $0x1  }
0x71: {  	v25 =	vsub.f32 v28, v27;
	v14 =	vsub.f32 v14, v26;
	_ =	sdelay $0x1  }
0x72: {  	s23 =	simm.s32 $0xC00;
	v25 =	vmul.f32 v25, v13;
	v51 =	vmul.f32 v14, v13  }
0x73: {  	v14 =	vld [tilespmem:s23+$0x0]  }
0x74: {  	v25 =	vadd.f32 v25, v27;
	v26 =	vadd.f32 v51, v26;
	_ =	sdelay $0x1  }
0x75: {  	v52 =	vand.u32 v8, v20;
	v27 =	vand.u32 $0x1E00, v15;
	v25 =	vsub.f32 v25, v26  }
0x76: {  	v28 =	vor.u32 v27, v52  }
0x77: {  	v53 =	vor.u32 $0x1, v24;
	v25 =	vmul.f32 v25, v14  }
0x78: {  	v54 =	vor.u32 $0x1, v18  }
0x79: {  	v55 =	vor.u32 $0x1, v17;
	v25 =	vadd.f32 v25, v26  }
0x7a: {  	v56 =	vor.u32 $0x1, v16  }
0x7b: {  	v32 =	vor.u32 $0x1, v19;
	[tilespmem:v28+s16+$0x0] =	vst.idx.msk $0xffff, v25  }
0x7c: {  	v33 =	vor.u32 $0x1, v22;
	v29 =	vld.idx.msk [tilespmem:v53+s15+$0x0], $0xffff  }
0x7d: {  	v26 =	vor.u32 $0x1, v21;
	v30 =	vld.idx.msk [tilespmem:v54+s15+$0x0], $0xffff  }
0x7e: {  	v25 =	vor.u32 $0x1, v23;
	v31 =	vld.idx.msk [tilespmem:v55+s15+$0x0], $0xffff  }
0x7f: {  	v28 =	vld.idx.msk [tilespmem:v56+s15+$0x0], $0xffff  }
0x80: {  	v32 =	vld.idx.msk [tilespmem:v32+s15+$0x0], $0xffff  }
0x81: {  	v33 =	vld.idx.msk [tilespmem:v33+s15+$0x0], $0xffff  }
0x82: {  	v26 =	vld.idx.msk [tilespmem:v26+s15+$0x0], $0xffff  }
0x83: {  	v25 =	vld.idx.msk [tilespmem:v25+s15+$0x0], $0xffff;
	_ =	sdelay $0x3  }
0x84: {  	v30 =	vsub.f32 v30, v31;
	v33 =	vsub.f32 v33, v32  }
0x85: {  	v29 =	vsub.f32 v29, v28;
	v26 =	vsub.f32 v26, v25  }
0x86: {  	v30 =	vmul.f32 v30, v12;
	v33 =	vmul.f32 v33, v12  }
0x87: {  	v29 =	vmul.f32 v29, v12;
	v26 =	vmul.f32 v26, v12  }
0x88: {  	v30 =	vadd.f32 v30, v31;
	v57 =	vadd.f32 v33, v32  }
0x89: {  	v25 =	vadd.f32 v26, v25;
	v26 =	vadd.f32 v29, v28;
	_ =	sdelay $0x1  }
0x8a: {  	v26 =	vsub.f32 v26, v30;
	v25 =	vsub.f32 v25, v57;
	_ =	sdelay $0x1  }
0x8b: {  	v26 =	vmul.f32 v26, v13;
	v25 =	vmul.f32 v25, v13;
	_ =	sdelay $0x1  }
0x8c: {  	v26 =	vadd.f32 v26, v30;
	v25 =	vadd.f32 v25, v57  }
0x8d: {  	v58 =	vand.u32 $0x38, v20  }
0x8e: {  	v20 =	vor.u32 v58, v27;
	v25 =	vsub.f32 v25, v26  }
0x8f: {  	v27 =	vor.u32 v9, v20  }
0x90: {  	v59 =	vor.u32 $0x2, v22;
	v25 =	vmul.f32 v25, v14  }
0x91: {  	v60 =	vor.u32 $0x2, v21  }
0x92: {  	v61 =	vor.u32 $0x2, v17;
	v25 =	vadd.f32 v25, v26  }
0x93: {  	v62 =	vor.u32 $0x2, v19  }
0x94: {  	v63 =	vor.u32 $0x2, v16;
	[tilespmem:v27+s16+$0x0] =	vst.idx.msk $0xffff, v25  }
0x95: {  	v26 =	vor.u32 $0x2, v24;
	v29 =	vld.idx.msk [tilespmem:v59+s15+$0x0], $0xffff  }
0x96: {  	v25 =	vor.u32 $0x2, v23;
	v30 =	vld.idx.msk [tilespmem:v60+s15+$0x0], $0xffff  }
0x97: {  	v27 =	vor.u32 $0x2, v18;
	v31 =	vld.idx.msk [tilespmem:v61+s15+$0x0], $0xffff  }
0x98: {  	v32 =	vld.idx.msk [tilespmem:v62+s15+$0x0], $0xffff  }
0x99: {  	v33 =	vld.idx.msk [tilespmem:v63+s15+$0x0], $0xffff  }
0x9a: {  	v26 =	vld.idx.msk [tilespmem:v26+s15+$0x0], $0xffff  }
0x9b: {  	v25 =	vld.idx.msk [tilespmem:v25+s15+$0x0], $0xffff  }
0x9c: {  	v27 =	vld.idx.msk [tilespmem:v27+s15+$0x0], $0xffff;
	_ =	sdelay $0x3  }
0x9d: {  	v29 =	vsub.f32 v29, v32;
	v26 =	vsub.f32 v26, v33  }
0x9e: {  	v30 =	vsub.f32 v30, v25;
	v27 =	vsub.f32 v27, v31  }
0x9f: {  	v29 =	vmul.f32 v29, v12;
	v26 =	vmul.f32 v26, v12  }
0xa0: {  	v30 =	vmul.f32 v30, v12;
	v27 =	vmul.f32 v27, v12  }
0xa1: {  	v29 =	vadd.f32 v29, v32;
	v26 =	vadd.f32 v26, v33  }
0xa2: {  	v25 =	vadd.f32 v30, v25;
	v27 =	vadd.f32 v27, v31;
	_ =	sdelay $0x1  }
0xa3: {  	v25 =	vsub.f32 v25, v29;
	v26 =	vsub.f32 v26, v27;
	_ =	sdelay $0x1  }
0xa4: {  	v25 =	vmul.f32 v25, v13;
	v26 =	vmul.f32 v26, v13;
	_ =	sdelay $0x1  }
0xa5: {  	v25 =	vadd.f32 v25, v29;
	v26 =	vadd.f32 v26, v27;
	_ =	sdelay $0x1  }
0xa6: {  	v25 =	vsub.f32 v25, v26  }
0xa7: {  	v20 =	vor.u32 v10, v20  }
0xa8: {  	v23 =	vor.u32 $0x3, v23;
	v25 =	vmul.f32 v25, v14  }
0xa9: {  	v22 =	vor.u32 $0x3, v22  }
0xaa: {  	v21 =	vor.u32 $0x3, v21;
	v25 =	vadd.f32 v25, v26  }
0xab: {  	v26 =	vor.u32 $0x3, v24  }
0xac: {  	v24 =	vor.u32 $0x3, v17;
	[tilespmem:v20+s16+$0x0] =	vst.idx.msk $0xffff, v25  }
0xad: {  	v20 =	vld.idx.msk [tilespmem:v23+s15+$0x0], $0xffff;
	v23 =	vor.u32 $0x3, v18  }
0xae: {  	v17 =	vld.idx.msk [tilespmem:v22+s15+$0x0], $0xffff;
	v22 =	vor.u32 $0x3, v16  }
0xaf: {  	v21 =	vld.idx.msk [tilespmem:v21+s15+$0x0], $0xffff;
	v18 =	vor.u32 $0x3, v19  }
0xb0: {  	s24 =	simm.s32 $0x10;
	v15 =	vor.u32 v58, v15;
	v16 =	vld.idx.msk [tilespmem:v26+s15+$0x0], $0xffff  }
.LBB2_7:
0xb1: {  	v19 =	vld.idx.msk [tilespmem:v24+s15+$0x0], $0xffff;
	s23 =	sadd.s32 $0x10, s23;
	s22 =	sadd.s32 $0x10, s22;
	s21 =	sadd.s32 $0x10, s21  }
0xb2: {  	p0 =	sne.s32 s24, $0x3F0;
	s25 =	smov.u32 s24;
	s24 =	sadd.s32 $0x10, s24;
	v23 =	vld.idx.msk [tilespmem:v23+s15+$0x0], $0xffff  }
0xb3: {  	v22 =	vld.idx.msk [tilespmem:v22+s15+$0x0], $0xffff  }
0xb4: {  	v21 =	vsub.f32 v21, v20;
	v18 =	vld.idx.msk [tilespmem:v18+s15+$0x0], $0xffff;
	_ =	sdelay $0x1  }
0xb5: {  	v21 =	vmul.f32 v21, v12;
	_ =	sdelay $0x1  }
0xb6: {  	v23 =	vsub.f32 v23, v19;
	v20 =	vadd.f32 v21, v20  }
0xb7: {  	v16 =	vsub.f32 v16, v22  }
0xb8: {  	v21 =	vmul.f32 v23, v12;
	v17 =	vsub.f32 v17, v18  }
0xb9: {  	v16 =	vmul.f32 v16, v12  }
0xba: {  	v19 =	vadd.f32 v21, v19;
	v12 =	vmul.f32 v17, v12  }
0xbb: {  	v16 =	vadd.f32 v16, v22  }
0xbc: {  	v12 =	vadd.f32 v12, v18  }
0xbd: {  	v16 =	vsub.f32 v16, v19  }
0xbe: {  	v17 =	vsub.f32 v20, v12  }
0xbf: {  	v16 =	vmul.f32 v16, v13  }
0xc0: {  	v13 =	vmul.f32 v17, v13  }
0xc1: {  	v16 =	vadd.f32 v16, v19  }
0xc2: {  	v12 =	vadd.f32 v13, v12;
	_ =	sdelay $0x1  }
0xc3: {  	v13 =	vor.u32 v11, v15;
	v12 =	vsub.f32 v12, v16;
	_ =	sdelay $0x1  }
0xc4: {  	v12 =	vmul.f32 v12, v14;
	_ =	sdelay $0x1  }
0xc5: {  	v12 =	vadd.f32 v12, v16  }
0xc6: {  	v25 =	vor.u32 s25, v0;
	v14 =	vmov s25  }
0xc7: {  	v14 =	vshll.u32 v14, $0x3;
	v16 =	vshll.u32 v25, $0x3;
	[tilespmem:v13+s16+$0x0] =	vst.idx.msk $0xffff, v12  }
0xc8: {  	v18 =	vor.u32 v7, v14;
	v17 =	vor.u32 v6, v14;
	v21 =	vor.u32 v1, v14  }
0xc9: {  	v20 =	vor.u32 v5, v14;
	v19 =	vor.u32 v4, v14;
	v23 =	vor.u32 v2, v14  }
0xca: {  	v22 =	vor.u32 v3, v14;
	v26 =	vand.u32 $0x1E00, v14;
	v13 =	vand.u32 $0x38, v25  }
0xcb: {  	v24 =	vor.u32 v13, v26;
	v15 =	vor.u32 v13, v14;
	v12 =	vld [tilespmem:s21+$0x0]  }
0xcc: {  	v14 =	vld.idx.msk [tilespmem:v16+s15+$0x0], $0xffff  }
0xcd: {  	v13 =	vld.idx.msk [tilespmem:v21+s15+$0x0], $0xffff  }
0xce: {  	v27 =	vld.idx.msk [tilespmem:v17+s15+$0x0], $0xffff  }
0xcf: {  	v28 =	vld.idx.msk [tilespmem:v18+s15+$0x0], $0xffff  }
0xd0: {  	v29 =	vld.idx.msk [tilespmem:v22+s15+$0x0], $0xffff  }
0xd1: {  	v30 =	vld.idx.msk [tilespmem:v23+s15+$0x0], $0xffff  }
0xd2: {  	v31 =	vld.idx.msk [tilespmem:v19+s15+$0x0], $0xffff  }
0xd3: {  	v32 =	vld.idx.msk [tilespmem:v20+s15+$0x0], $0xffff;
	_ =	sdelay $0x1  }
0xd4: {  	v28 =	vsub.f32 v28, v14;
	_ =	sdelay $0x1  }
0xd5: {  	v28 =	vmul.f32 v28, v12;
	v13 =	vsub.f32 v13, v30  }
0xd6: {  	v29 =	vsub.f32 v29, v31  }
0xd7: {  	v32 =	vsub.f32 v32, v27;
	v33 =	vmul.f32 v13, v12  }
0xd8: {  	v29 =	vmul.f32 v29, v12  }
0xd9: {  	v32 =	vmul.f32 v32, v12;
	v30 =	vadd.f32 v33, v30;
	v13 =	vld [tilespmem:s22+$0x0]  }
0xda: {  	v29 =	vadd.f32 v29, v31  }
0xdb: {  	v28 =	vadd.f32 v28, v14;
	v14 =	vadd.f32 v32, v27  }
0xdc: {  	v27 =	vsub.f32 v30, v29  }
0xdd: {  	v14 =	vsub.f32 v14, v28  }
0xde: {  	v27 =	vmul.f32 v27, v13  }
0xdf: {  	v30 =	vmul.f32 v14, v13  }
0xe0: {  	v14 =	vld [tilespmem:s23+$0x0];
	v27 =	vadd.f32 v27, v29  }
0xe1: {  	v28 =	vadd.f32 v30, v28;
	_ =	sdelay $0x1  }
0xe2: {  	v25 =	vand.u32 v8, v25;
	v27 =	vsub.f32 v27, v28  }
0xe3: {  	v25 =	vor.u32 v26, v25  }
0xe4: {  	v26 =	vmul.f32 v27, v14;
	v27 =	vor.u32 $0x1, v20  }
0xe5: {  	v29 =	vor.u32 $0x1, v18  }
0xe6: {  	v26 =	vadd.f32 v26, v28;
	v28 =	vor.u32 $0x1, v21  }
0xe7: {  	v30 =	vor.u32 $0x1, v16  }
0xe8: {  	[tilespmem:v25+s16+$0x0] =	vst.idx.msk $0xffff, v26;
	v25 =	vor.u32 $0x1, v23  }
0xe9: {  	v26 =	vor.u32 $0x1, v17;
	v27 =	vld.idx.msk [tilespmem:v27+s15+$0x0], $0xffff  }
0xea: {  	v31 =	vor.u32 $0x1, v19;
	v29 =	vld.idx.msk [tilespmem:v29+s15+$0x0], $0xffff  }
0xeb: {  	v32 =	vor.u32 $0x1, v22;
	v28 =	vld.idx.msk [tilespmem:v28+s15+$0x0], $0xffff  }
0xec: {  	v30 =	vld.idx.msk [tilespmem:v30+s15+$0x0], $0xffff  }
0xed: {  	v25 =	vld.idx.msk [tilespmem:v25+s15+$0x0], $0xffff  }
0xee: {  	v26 =	vld.idx.msk [tilespmem:v26+s15+$0x0], $0xffff  }
0xef: {  	v31 =	vld.idx.msk [tilespmem:v31+s15+$0x0], $0xffff  }
0xf0: {  	v32 =	vld.idx.msk [tilespmem:v32+s15+$0x0], $0xffff;
	_ =	sdelay $0x1  }
0xf1: {  	v29 =	vsub.f32 v29, v30  }
0xf2: {  	v28 =	vsub.f32 v28, v25  }
0xf3: {  	v29 =	vmul.f32 v29, v12;
	v27 =	vsub.f32 v27, v26  }
0xf4: {  	v28 =	vmul.f32 v28, v12  }
0xf5: {  	v29 =	vadd.f32 v29, v30;
	v27 =	vmul.f32 v27, v12;
	v30 =	vsub.f32 v32, v31  }
0xf6: {  	v25 =	vadd.f32 v28, v25  }
0xf7: {  	v26 =	vadd.f32 v27, v26;
	v27 =	vmul.f32 v30, v12;
	_ =	sdelay $0x1  }
0xf8: {  	v27 =	vadd.f32 v27, v31;
	v26 =	vsub.f32 v26, v29;
	_ =	sdelay $0x1  }
0xf9: {  	v26 =	vmul.f32 v26, v13;
	v25 =	vsub.f32 v25, v27;
	_ =	sdelay $0x1  }
0xfa: {  	v26 =	vadd.f32 v26, v29;
	v25 =	vmul.f32 v25, v13;
	_ =	sdelay $0x1  }
0xfb: {  	v25 =	vadd.f32 v25, v27;
	_ =	sdelay $0x1  }
0xfc: {  	v25 =	vsub.f32 v25, v26  }
0xfd: {  	v27 =	vor.u32 v9, v24  }
0xfe: {  	v28 =	vor.u32 $0x2, v22;
	v25 =	vmul.f32 v25, v14  }
0xff: {  	v29 =	vor.u32 $0x2, v21  }
0x100: {  	v25 =	vadd.f32 v25, v26;
	v26 =	vor.u32 $0x2, v20  }
0x101: {  	v30 =	vor.u32 $0x2, v16  }
0x102: {  	[tilespmem:v27+s16+$0x0] =	vst.idx.msk $0xffff, v25;
	v25 =	vor.u32 $0x2, v23  }
0x103: {  	v27 =	vor.u32 $0x2, v18;
	v28 =	vld.idx.msk [tilespmem:v28+s15+$0x0], $0xffff  }
0x104: {  	v31 =	vor.u32 $0x2, v19;
	v29 =	vld.idx.msk [tilespmem:v29+s15+$0x0], $0xffff  }
0x105: {  	v32 =	vor.u32 $0x2, v17;
	v26 =	vld.idx.msk [tilespmem:v26+s15+$0x0], $0xffff  }
0x106: {  	v30 =	vld.idx.msk [tilespmem:v30+s15+$0x0], $0xffff  }
0x107: {  	v25 =	vld.idx.msk [tilespmem:v25+s15+$0x0], $0xffff  }
0x108: {  	v27 =	vld.idx.msk [tilespmem:v27+s15+$0x0], $0xffff  }
0x109: {  	v31 =	vld.idx.msk [tilespmem:v31+s15+$0x0], $0xffff  }
0x10a: {  	v32 =	vld.idx.msk [tilespmem:v32+s15+$0x0], $0xffff;
	_ =	sdelay $0x2  }
0x10b: {  	v29 =	vsub.f32 v29, v25  }
0x10c: {  	v27 =	vsub.f32 v27, v30  }
0x10d: {  	v28 =	vsub.f32 v28, v31;
	v29 =	vmul.f32 v29, v12  }
0x10e: {  	v27 =	vmul.f32 v27, v12;
	v26 =	vsub.f32 v26, v32  }
0x10f: {  	v28 =	vmul.f32 v28, v12;
	v25 =	vadd.f32 v29, v25  }
0x110: {  	v26 =	vmul.f32 v26, v12  }
0x111: {  	v28 =	vadd.f32 v28, v31  }
0x112: {  	v27 =	vadd.f32 v27, v30;
	v26 =	vadd.f32 v26, v32  }
0x113: {  	v25 =	vsub.f32 v25, v28  }
0x114: {  	v26 =	vsub.f32 v26, v27  }
0x115: {  	v25 =	vmul.f32 v25, v13  }
0x116: {  	v26 =	vmul.f32 v26, v13  }
0x117: {  	v25 =	vadd.f32 v25, v28  }
0x118: {  	v26 =	vadd.f32 v26, v27;
	_ =	sdelay $0x1  }
0x119: {  	v25 =	vsub.f32 v25, v26  }
0x11a: {  	v24 =	vor.u32 v10, v24  }
0x11b: {  	v21 =	vor.u32 $0x3, v21;
	v25 =	vmul.f32 v25, v14  }
0x11c: {  	v27 =	vor.u32 $0x3, v23  }
0x11d: {  	v23 =	vadd.f32 v25, v26;
	v25 =	vor.u32 $0x3, v22  }
0x11e: {  	v26 =	vor.u32 $0x3, v20  }
.Ltmp2:
0x11f: {  	[tilespmem:v24+s16+$0x0] =	vst.idx.msk $0xffff, v23;
	v24 =	vor.u32 $0x3, v16;
	(pc) =	sbr.rel @p0 .LBB2_7-.Ltmp2, $4  }
0x120: {  	v23 =	vor.u32 $0x3, v18;
	v21 =	vld.idx.msk [tilespmem:v21+s15+$0x0], $0xffff  }
0x121: {  	v22 =	vor.u32 $0x3, v17;
	v18 =	vor.u32 $0x3, v19;
	v20 =	vld.idx.msk [tilespmem:v27+s15+$0x0], $0xffff  }
0x122: {  	v17 =	vld.idx.msk [tilespmem:v25+s15+$0x0], $0xffff  }
0x123: {  	v16 =	vld.idx.msk [tilespmem:v26+s15+$0x0], $0xffff  }
0x124: {  	_ =	sdelay $0x3  }
0x125: {  	v19 =	vld.idx.msk [tilespmem:v24+s15+$0x0], $0xffff  }
0x126: {  	v23 =	vld.idx.msk [tilespmem:v23+s15+$0x0], $0xffff  }
0x127: {  	v22 =	vld.idx.msk [tilespmem:v22+s15+$0x0], $0xffff  }
0x128: {  	v18 =	vld.idx.msk [tilespmem:v18+s15+$0x0], $0xffff;
	_ =	sdelay $0x3  }
0x129: {  	v21 =	vsub.f32 v21, v20;
	v23 =	vsub.f32 v23, v19  }
0x12a: {  	v16 =	vsub.f32 v16, v22;
	v17 =	vsub.f32 v17, v18  }
0x12b: {  	v21 =	vmul.f32 v21, v12;
	v23 =	vmul.f32 v23, v12  }
0x12c: {  	v16 =	vmul.f32 v16, v12;
	v60 =	vmul.f32 v17, v12  }
0x12d: {  	v61 =	vadd.f32 v21, v20;
	v19 =	vadd.f32 v23, v19  }
0x12e: {  	v16 =	vadd.f32 v16, v22;
	v12 =	vadd.f32 v60, v18;
	_ =	sdelay $0x1  }
0x12f: {  	v16 =	vsub.f32 v16, v19;
	v17 =	vsub.f32 v61, v12;
	_ =	sdelay $0x1  }
0x130: {  	v16 =	vmul.f32 v16, v13;
	v62 =	vmul.f32 v17, v13;
	_ =	sdelay $0x1  }
0x131: {  	v16 =	vadd.f32 v16, v19;
	v12 =	vadd.f32 v62, v12;
	_ =	sdelay $0x1  }
0x132: {  	v12 =	vsub.f32 v12, v16  }
0x133: {  	v63 =	vor.u32 v11, v15  }
0x134: {  	v12 =	vmul.f32 v12, v14;
	_ =	sdelay $0x1  }
0x135: {  	s19 =	sadd.s32 $0x1, s19;
	v12 =	vadd.f32 v12, v16  }
0x136: {  	p0 =	sne.s32 s19, $0x10  }
.Ltmp3:
0x137: {  	s20 =	sadd.s32 s1, s20;
	[tilespmem:v63+s16+$0x0] =	vst.idx.msk $0xffff, v12;
	(pc) =	sbr.rel @p0 .LBB2_2-.Ltmp3, $4  }
0x138: {  	[hbm4b:s20+s2] =	stream.linear.scatter [tilespmem:s16], [sflag:$0x2], $0x2000, $0x38;
	[tilespmem:$0x15800] =	vst v63  }
0x139: {  	_ =	swait.ge [sflag:s10], $0x2000  }
0x13a: {  	[sflag:s10] =	ssyncset.done $0x0  }
0x13b: {  	s18 =	sadd.s32 $0x400, s18;
	[sflag:s10] =	ssyncadd.s32 $0xFFFFE000  }
0x13c: {  	s17 =	sadd.s32 $0x1, s17  }
0x13d: {  	p0 =	sne.s32 s17, s9  }
.Ltmp4:
0x13e: {  	_ = 	snop;
	(pc) =	sbr.rel @p0 .LBB2_1-.Ltmp4, $1  }
0x13f: {  	_ =	sdelay $0x3  }
0x140: {  	_ =	sfence.sel $0x180000  }
0x141: {  	[bflag:$0x0] =	sbarrier.arrive $0xFFFF  }
0x142: {  	p0 =	sne.s32 s4, $0x0;
	_ =	strace $0x90000047  }
0x143: {  	s0 =	sadd.s32 @!p0 $0x100000, s0;
	[bflag:$0x2] =	sbarrier.arrive $0xFFFF  }
0x144: {  	[sflag:s0] =	ssyncadd.tile.s32 @!p0 $0x1;
	_ =	shalt  }
.Lfunc_end2:
_tile_overlayer_lowered:
.L_overlay_start_2:
0x145: {  	(tag) =	ssettag $0x2  }
0x146: {  	s0 =	rddreg [dreg:$0x0];
	s2 =	stileid.u32  }
0x147: {  	s1 =	rddreg [dreg:$0x1];
	p0 =	sne.s32 s2, $0x0  }
0x148: {  	s3 =	rddreg [dreg:$0x2];
	[bflag:$0x3] =	sbarrier.arrive $0xFFFF;
	s2 =	simm.s32 @!p0 $0x1C02  }
0x149: {  	[timem:s3], [sflag:s2] =	dma.local @!p0 [hbm:s0], s1  }
0x14a: {  	s0 =	simm.s32 @!p0 $0x2  }
0x14b: {  	_ =	swait.ge @!p0 [sflag:s0], s1  }
0x14c: {  	s1 =	ssub.s32 @!p0 $0x0, s1;
	[sflag:s0] =	ssyncset.done @!p0 $0x0  }
0x14d: {  	[sflag:s0] =	ssyncadd.s32 @!p0 s1  }
0x14e: {  	[bflag:$0x3] =	sbarrier.arrive $0xFFFF  }
0x14f: {  	_ =	shalt  }

</sc_bundles>
